<compile_context>
chip_gen: v7x
topology: tpu7x:2x2x1
jax: 0.10.2.dev20260603
libtpu: 0.0.44.dev20260713+nightly
codegen_flags: <defaults>
</compile_context>

<pallas_src>
import functools

import jax
import jax.numpy as jnp
from jax import lax
from jax.experimental import pallas as pl
from jax.experimental.pallas import tpu as pltpu
from jax.experimental.pallas import tpu_sc as plsc

K = 20
TH = 0.5
L = 16
NSC, NSUB = 2, 16
NW = NSC * NSUB
CAP = 512


def _mm_tau_body(x_ref, w_ref, b_ref, probs_ref, tau_ref, gm_ref, *, nv, bm, bv):
    v = pl.program_id(1)
    logits = jnp.dot(x_ref[...], w_ref[...],
                     preferred_element_type=jnp.float32) + b_ref[...]
    probs = jax.nn.sigmoid(logits)
    probs_ref[...] = probs

    bg = probs[:, 0:128]
    for c in range(1, bv // 128):
        bg = jnp.maximum(bg, probs[:, c * 128:(c + 1) * 128])
    gm_ref[...] = jnp.where(v == 0, bg, jnp.maximum(gm_ref[...], bg))

    @pl.when(v == nv - 1)
    def _():
        def knock(_, g):
            m = jnp.max(g, axis=1, keepdims=True)
            return jnp.where(g == m, -1.0, g)

        g19 = lax.fori_loop(0, K - 1, knock, gm_ref[...])
        tau = jnp.max(g19, axis=1, keepdims=True)
        tau_ref[...] = jnp.broadcast_to(tau, (bm, L))


def _sc_filter_body(probs_hbm, tau_hbm, cval_hbm, cidx_hbm,
                    buf0, buf1, tauv, bval0, bidx0, bval1, bidx1,
                    sin0, sin1, so0, so1,
                    *, rows_per, vocab):
    wid = lax.axis_index("s") * NSC + lax.axis_index("c")
    base = wid * rows_per
    pltpu.sync_copy(tau_hbm.at[pl.ds(base, rows_per)], tauv)
    lane = lax.iota(jnp.int32, L)
    nchunks = vocab // L
    neg1 = jnp.full((L,), -1.0, jnp.float32)
    zero = jnp.zeros((L,), jnp.int32)
    capv = jnp.full((L,), CAP, jnp.int32)
    npairs = rows_per // 2

    def do_row(r, rowbuf, bval, bidx):
        tau_v = tauv[r]
        for q in range(CAP // L):
            bval[pl.ds(q * L, L)] = neg1
            bidx[pl.ds(q * L, L)] = zero

        def fbody(c, off):
            v = rowbuf[pl.ds(c * L, L)]
            m = v >= tau_v
            cum = plsc.cumsum(m.astype(jnp.int32))
            pos = jnp.minimum(off + cum - 1, capv)
            plsc.store_scatter(bval, [pos], v, mask=m)
            plsc.store_scatter(bidx, [pos], lane + c * L, mask=m)
            cnt = plsc.all_reduce_population_count(m)
            return off + cnt[0]

        lax.fori_loop(0, nchunks, fbody, 0, unroll=8)

    pltpu.async_copy(probs_hbm.at[base], buf0, sin0)
    pltpu.async_copy(probs_hbm.at[base + 1], buf1, sin1)

    def pair_body(i, _):
        r0 = 2 * i
        for par, buf, bval, bidx, sin, so in (
                (0, buf0, bval0, bidx0, sin0, so0),
                (1, buf1, bval1, bidx1, sin1, so1)):
            r = r0 + par
            pltpu.make_async_copy(probs_hbm.at[base + r], buf, sin).wait()

            @pl.when(i > 0)
            def _(bval=bval, bidx=bidx, so=so, r=r):
                pltpu.make_async_copy(bval.at[pl.ds(0, CAP)],
                                      cval_hbm.at[base + r - 2], so).wait()
                pltpu.make_async_copy(bidx.at[pl.ds(0, CAP)],
                                      cidx_hbm.at[base + r - 2], so).wait()

            do_row(r, buf, bval, bidx)

            @pl.when(i < npairs - 1)
            def _(buf=buf, sin=sin, r=r):
                pltpu.async_copy(probs_hbm.at[base + r + 2], buf, sin)

            pltpu.async_copy(bval.at[pl.ds(0, CAP)],
                             cval_hbm.at[base + r], so)
            pltpu.async_copy(bidx.at[pl.ds(0, CAP)],
                             cidx_hbm.at[base + r], so)
        return 0

    lax.fori_loop(0, npairs, pair_body, 0)
    last = base + rows_per
    pltpu.make_async_copy(bval0.at[pl.ds(0, CAP)], cval_hbm.at[last - 2], so0).wait()
    pltpu.make_async_copy(bidx0.at[pl.ds(0, CAP)], cidx_hbm.at[last - 2], so0).wait()
    pltpu.make_async_copy(bval1.at[pl.ds(0, CAP)], cval_hbm.at[last - 1], so1).wait()
    pltpu.make_async_copy(bidx1.at[pl.ds(0, CAP)], cidx_hbm.at[last - 1], so1).wait()


def _select_body(cv_ref, ci_ref, pred_ref, mprob_ref, *, bm):
    probs = cv_ref[...]
    cidx = ci_ref[...]
    iota_k = lax.broadcasted_iota(jnp.int32, (bm, K), 1)

    def round_body(j, carry):
        p, vals, idxs = carry
        m = jnp.max(p, axis=1, keepdims=True)
        idx = jnp.min(jnp.where(p == m, cidx, jnp.int32(1 << 30)),
                      axis=1, keepdims=True)
        sel = iota_k == j
        vals = jnp.where(sel, m, vals)
        idxs = jnp.where(sel, idx, idxs)
        return jnp.where((p == m) & (cidx == idx), -2.0, p), vals, idxs

    _, vals, idxs = lax.fori_loop(
        0, K, round_body,
        (probs, jnp.zeros((bm, K), jnp.float32),
         jnp.zeros((bm, K), jnp.int32)))
    keep = (vals > TH) | (iota_k == 0)
    pred_ref[...] = jnp.where(keep, idxs, 0)
    mprob_ref[...] = jnp.where(keep, vals, 0.0)


def kernel(img_features, W_label, b_label, W_card, b_card):
    del W_card, b_card
    batch, d_model = img_features.shape
    vocab = W_label.shape[1]
    bm, bv = 256, 1024
    nb, nv = batch // bm, vocab // bv
    rows_per = batch // NW

    x16 = img_features.astype(jnp.bfloat16)
    w16 = W_label.astype(jnp.bfloat16)
    b2d = b_label.reshape(1, vocab)

    probs, tau = pl.pallas_call(
        functools.partial(_mm_tau_body, nv=nv, bm=bm, bv=bv),
        grid=(nb, nv),
        in_specs=[
            pl.BlockSpec((bm, d_model), lambda b, v: (b, 0)),
            pl.BlockSpec((d_model, bv), lambda b, v: (0, v)),
            pl.BlockSpec((1, bv), lambda b, v: (0, v)),
        ],
        out_specs=[
            pl.BlockSpec((bm, bv), lambda b, v: (b, v)),
            pl.BlockSpec((bm, L), lambda b, v: (b, 0)),
        ],
        out_shape=[
            jax.ShapeDtypeStruct((batch, vocab), jnp.float32),
            jax.ShapeDtypeStruct((batch, L), jnp.float32),
        ],
        scratch_shapes=[pltpu.VMEM((bm, 128), jnp.float32)],
    )(x16, w16, b2d)

    sc = functools.partial(
        pl.kernel,
        out_type=[
            jax.ShapeDtypeStruct((batch, CAP), jnp.float32),
            jax.ShapeDtypeStruct((batch, CAP), jnp.int32),
        ],
        mesh=plsc.VectorSubcoreMesh(core_axis_name="c", subcore_axis_name="s"),
        compiler_params=pltpu.CompilerParams(needs_layout_passes=False),
        scratch_types=[
            pltpu.VMEM((vocab,), jnp.float32),
            pltpu.VMEM((vocab,), jnp.float32),
            pltpu.VMEM((rows_per, L), jnp.float32),
            pltpu.VMEM((CAP + L,), jnp.float32),
            pltpu.VMEM((CAP + L,), jnp.int32),
            pltpu.VMEM((CAP + L,), jnp.float32),
            pltpu.VMEM((CAP + L,), jnp.int32),
            pltpu.SemaphoreType.DMA,
            pltpu.SemaphoreType.DMA,
            pltpu.SemaphoreType.DMA,
            pltpu.SemaphoreType.DMA,
        ],
    )(functools.partial(_sc_filter_body, rows_per=rows_per, vocab=vocab))
    cval, cidx = sc(probs, tau)

    bm2 = 512
    pred, mprob = pl.pallas_call(
        functools.partial(_select_body, bm=bm2),
        grid=(batch // bm2,),
        in_specs=[
            pl.BlockSpec((bm2, CAP), lambda b: (b, 0)),
            pl.BlockSpec((bm2, CAP), lambda b: (b, 0)),
        ],
        out_specs=[
            pl.BlockSpec((bm2, K), lambda b: (b, 0)),
            pl.BlockSpec((bm2, K), lambda b: (b, 0)),
        ],
        out_shape=[
            jax.ShapeDtypeStruct((batch, K), jnp.int32),
            jax.ShapeDtypeStruct((batch, K), jnp.float32),
        ],
    )(cval, cidx)
    return (pred, mprob)

# --- scband reference (transcript-rebuilt; emitter-appended) ---
"""Pipeline reference for scband-ingredients-predictor-28089086116551 (READ-ONLY COPY).

The authoritative reference and input builder live on the scoring server;
editing this copy changes nothing except your own understanding.
"""

import jax, jax.numpy as jnp
import numpy as np

MAXNUMLABELS = 20
TH = 0.5
PAD_VALUE = 0
VOCAB = 8192
D_MODEL = 2048
BATCH = 4096


def setup_inputs(seed: int = 0) -> dict:
    key = jax.random.key(seed)
    k1, k2, k3 = jax.random.split(key, 3)
    img_features = jax.random.normal(k1, (BATCH, D_MODEL), dtype=jnp.float32)
    # FF decoder parameters (is_decoder_ff=True): label head + cardinality head
    W_label = jax.random.normal(k2, (D_MODEL, VOCAB), dtype=jnp.float32) * 0.02
    b_label = jnp.zeros((VOCAB,), dtype=jnp.float32)
    W_card = jax.random.normal(k3, (D_MODEL, MAXNUMLABELS), dtype=jnp.float32) * 0.02
    b_card = jnp.zeros((MAXNUMLABELS,), dtype=jnp.float32)
    return {
        "img_features": img_features,
        "W_label": W_label,
        "b_label": b_label,
        "W_card": W_card,
        "b_card": b_card,
    }


def reference(img_features, W_label, b_label, W_card, b_card):
    # is_decoder_ff=True, compute_predictions=True, compute_losses=False,
    # loss_label='bce', card_type='none', use_empty_set=False
    label_logits = img_features @ W_label + b_label
    cardinality_logits = img_features @ W_card + b_card  # unused when card_type='none'
    del cardinality_logits
    label_probs = jax.nn.sigmoid(label_logits)
    # predictions_to_idxs: top-k over vocab, sorted descending
    probs, idxs = jax.lax.top_k(label_probs, MAXNUMLABELS)
    mask = probs > TH                      # which_loss='bce' path: mask = (probs > th)
    mask = mask.at[:, 0].set(True)         # not use_empty_set -> always keep top-1
    predictions = jnp.where(mask, idxs, PAD_VALUE)  # idxs_clone[mask==0] = pad_value
    masked_probs = jnp.where(mask, probs, 0.0)
    return (predictions, masked_probs)

if __name__ == "__main__":
    import jax
    _d = setup_inputs()
    print(jax.jit(kernel)(*tuple(_d.values())))

</pallas_src>

<mosaic_0001>
#map = affine_map<(d0, d1) -> (0, 0)>
module attributes {stable_mosaic.version = 14 : i64} {
  func.func @_sc_filter_body(%arg0: i32, %arg1: i32, %arg2: memref<4096x8192xf32, #tpu.memory_space<hbm>>, %arg3: memref<4096x16xf32, #tpu.memory_space<hbm>>, %arg4: memref<4096x512xf32, #tpu.memory_space<hbm>>, %arg5: memref<4096x512xi32, #tpu.memory_space<hbm>>, %arg6: memref<8192xf32, #tpu.memory_space<vmem>>, %arg7: memref<8192xf32, #tpu.memory_space<vmem>>, %arg8: memref<128x16xf32, #tpu.memory_space<vmem>>, %arg9: memref<528xf32, #tpu.memory_space<vmem>>, %arg10: memref<528xi32, #tpu.memory_space<vmem>>, %arg11: memref<528xf32, #tpu.memory_space<vmem>>, %arg12: memref<528xi32, #tpu.memory_space<vmem>>, %arg13: memref<!tpu.dma_semaphore, #tpu.memory_space<semaphore_mem>>, %arg14: memref<!tpu.dma_semaphore, #tpu.memory_space<semaphore_mem>>, %arg15: memref<!tpu.dma_semaphore, #tpu.memory_space<semaphore_mem>>, %arg16: memref<!tpu.dma_semaphore, #tpu.memory_space<semaphore_mem>>) attributes {dimension_semantics = [#tpu.dimension_semantics<core_parallel>, #tpu.dimension_semantics<subcore_parallel>], iteration_bounds = array<i64: 2, 16>, scalar_prefetch = 0 : i64, scratch_operands = 11 : i64, tpu.core_type = #tpu.core_type<sc_vector_subcore>, window_params = [{transform_indices = #map}, {transform_indices = #map}, {transform_indices = #map}, {transform_indices = #map}]} {
    %mul3A = arith.constant 2 : i32
    %mul3A_0 = arith.muli %arg1, %mul3A : i32
    %add3A = arith.addi %mul3A_0, %arg0 : i32
    %mul3A_1 = arith.constant 128 : i32
    %mul3A_2 = arith.muli %add3A, %mul3A_1 : i32
    "tpu.region"() ({
      %run_scoped3A = tpu.sem_alloc : memref<!tpu.dma_semaphore, #tpu.memory_space<semaphore_mem>>
      %dma_start3A_75 = arith.constant 0 : i32
      %dma_start3A_76 = tpu.memref_slice %arg3[%mul3A_2, %dma_start3A_75] : memref<4096x16xf32, #tpu.memory_space<hbm>> -> memref<128x16xf32, #tpu.memory_space<hbm>>
      %dma_start3A_77 = arith.constant 0 : i32
      %dma_start3A_78 = tpu.memref_slice %arg3[%mul3A_2, %dma_start3A_77] : memref<4096x16xf32, #tpu.memory_space<hbm>> -> memref<128x16xf32, #tpu.memory_space<hbm>>
      tpu.enqueue_dma source(%dma_start3A_78 : memref<128x16xf32, #tpu.memory_space<hbm>>) target(%arg8 : memref<128x16xf32, #tpu.memory_space<vmem>>) target_semaphore(%run_scoped3A : memref<!tpu.dma_semaphore, #tpu.memory_space<semaphore_mem>>)
      %dma_wait3A_79 = arith.constant 0 : i32
      %dma_wait3A_80 = tpu.memref_slice %arg3[%mul3A_2, %dma_wait3A_79] : memref<4096x16xf32, #tpu.memory_space<hbm>> -> memref<128x16xf32, #tpu.memory_space<hbm>>
      %dma_wait3A_81 = arith.constant 0 : i32
      %dma_wait3A_82 = tpu.memref_slice %arg3[%mul3A_2, %dma_wait3A_81] : memref<4096x16xf32, #tpu.memory_space<hbm>> -> memref<128x16xf32, #tpu.memory_space<hbm>>
      tpu.wait_dma2 semaphore(%run_scoped3A : memref<!tpu.dma_semaphore, #tpu.memory_space<semaphore_mem>>) src(%dma_wait3A_82 : memref<128x16xf32, #tpu.memory_space<hbm>>) dst(%arg8 : memref<128x16xf32, #tpu.memory_space<vmem>>)
      tpu.yield
    }) : () -> ()
    %iota3A = tpu.iota {dimensions = array<i32: 0>} : vector<16xi32>
    %broadcast_in_dim3A = arith.constant -1.000000e+00 : f32
    %broadcast_in_dim3A_3 = vector.broadcast %broadcast_in_dim3A : f32 to vector<16xf32>
    %broadcast_in_dim3A_4 = arith.constant 0 : i32
    %broadcast_in_dim3A_5 = vector.broadcast %broadcast_in_dim3A_4 : i32 to vector<16xi32>
    %broadcast_in_dim3A_6 = arith.constant 512 : i32
    %broadcast_in_dim3A_7 = vector.broadcast %broadcast_in_dim3A_6 : i32 to vector<16xi32>
    %dma_start3A = arith.constant 0 : i32
    %dma_start3A_8 = tpu.memref_slice %arg2[%mul3A_2, %dma_start3A] : memref<4096x8192xf32, #tpu.memory_space<hbm>> -> memref<1x8192xf32, #tpu.memory_space<hbm>>
    %dma_start3A_9 = tpu.memref_squeeze %dma_start3A_8 : memref<1x8192xf32, #tpu.memory_space<hbm>> -> memref<8192xf32, #tpu.memory_space<hbm>>
    %dma_start3A_10 = arith.constant 0 : i32
    %dma_start3A_11 = tpu.memref_slice %arg2[%mul3A_2, %dma_start3A_10] : memref<4096x8192xf32, #tpu.memory_space<hbm>> -> memref<1x8192xf32, #tpu.memory_space<hbm>>
    %dma_start3A_12 = tpu.memref_squeeze %dma_start3A_11 : memref<1x8192xf32, #tpu.memory_space<hbm>> -> memref<8192xf32, #tpu.memory_space<hbm>>
    tpu.enqueue_dma source(%dma_start3A_12 : memref<8192xf32, #tpu.memory_space<hbm>>) target(%arg6 : memref<8192xf32, #tpu.memory_space<vmem>>) target_semaphore(%arg13 : memref<!tpu.dma_semaphore, #tpu.memory_space<semaphore_mem>>)
    %add3A_13 = arith.constant 1 : i32
    %add3A_14 = arith.addi %mul3A_2, %add3A_13 : i32
    %dma_start3A_15 = arith.constant 0 : i32
    %dma_start3A_16 = tpu.memref_slice %arg2[%add3A_14, %dma_start3A_15] : memref<4096x8192xf32, #tpu.memory_space<hbm>> -> memref<1x8192xf32, #tpu.memory_space<hbm>>
    %dma_start3A_17 = tpu.memref_squeeze %dma_start3A_16 : memref<1x8192xf32, #tpu.memory_space<hbm>> -> memref<8192xf32, #tpu.memory_space<hbm>>
    %dma_start3A_18 = arith.constant 0 : i32
    %dma_start3A_19 = tpu.memref_slice %arg2[%add3A_14, %dma_start3A_18] : memref<4096x8192xf32, #tpu.memory_space<hbm>> -> memref<1x8192xf32, #tpu.memory_space<hbm>>
    %dma_start3A_20 = tpu.memref_squeeze %dma_start3A_19 : memref<1x8192xf32, #tpu.memory_space<hbm>> -> memref<8192xf32, #tpu.memory_space<hbm>>
    tpu.enqueue_dma source(%dma_start3A_20 : memref<8192xf32, #tpu.memory_space<hbm>>) target(%arg7 : memref<8192xf32, #tpu.memory_space<vmem>>) target_semaphore(%arg14 : memref<!tpu.dma_semaphore, #tpu.memory_space<semaphore_mem>>)
    %scan3A = arith.constant 0 : i32
    %scan3A_21 = arith.constant 0 : i32
    %scan3A_22 = arith.constant 64 : i32
    %scan3A_23 = arith.addi %scan3A_21, %scan3A_22 : i32
    %scan3A_24 = arith.constant 1 : i32
    %scan3A_25 = scf.for %scan3A_75 = %scan3A_21 to %scan3A_23 step %scan3A_24 iter_args(%scan3A_76 = %scan3A) -> (i32)  : i32 {
      %mul3A_77 = arith.constant 2 : i32
      %mul3A_78 = arith.muli %mul3A_77, %scan3A_75 : i32
      %add3A_79 = arith.constant 0 : i32
      %add3A_80 = arith.addi %mul3A_78, %add3A_79 : i32
      %add3A_81 = arith.addi %mul3A_2, %add3A_80 : i32
      %dma_wait3A_82 = arith.constant 0 : i32
      %dma_wait3A_83 = tpu.memref_slice %arg2[%add3A_81, %dma_wait3A_82] : memref<4096x8192xf32, #tpu.memory_space<hbm>> -> memref<1x8192xf32, #tpu.memory_space<hbm>>
      %dma_wait3A_84 = tpu.memref_squeeze %dma_wait3A_83 : memref<1x8192xf32, #tpu.memory_space<hbm>> -> memref<8192xf32, #tpu.memory_space<hbm>>
      %dma_wait3A_85 = arith.constant 0 : i32
      %dma_wait3A_86 = tpu.memref_slice %arg2[%add3A_81, %dma_wait3A_85] : memref<4096x8192xf32, #tpu.memory_space<hbm>> -> memref<1x8192xf32, #tpu.memory_space<hbm>>
      %dma_wait3A_87 = tpu.memref_squeeze %dma_wait3A_86 : memref<1x8192xf32, #tpu.memory_space<hbm>> -> memref<8192xf32, #tpu.memory_space<hbm>>
      tpu.wait_dma2 semaphore(%arg13 : memref<!tpu.dma_semaphore, #tpu.memory_space<semaphore_mem>>) src(%dma_wait3A_87 : memref<8192xf32, #tpu.memory_space<hbm>>) dst(%arg6 : memref<8192xf32, #tpu.memory_space<vmem>>)
      %gt3A = arith.constant 0 : i32
      %gt3A_88 = arith.cmpi sgt, %scan3A_75, %gt3A : i32
      %convert_element_type3A = arith.extui %gt3A_88 : i1 to i32
      %cond3A = arith.constant 0 : i32
      %cond3A_89 = arith.cmpi ne, %convert_element_type3A, %cond3A : i32
      scf.if %cond3A_89 {
        %add3A_432 = arith.addi %mul3A_2, %add3A_80 : i32
        %sub3A_433 = arith.constant 2 : i32
        %sub3A_434 = arith.subi %add3A_432, %sub3A_433 : i32
        %dma_wait3A_435 = arith.constant 0 : i32
        %dma_wait3A_436 = tpu.memref_slice %arg9[%dma_wait3A_435] : memref<528xf32, #tpu.memory_space<vmem>> -> memref<512xf32, #tpu.memory_space<vmem>>
        %dma_wait3A_437 = arith.constant 0 : i32
        %dma_wait3A_438 = tpu.memref_slice %arg4[%sub3A_434, %dma_wait3A_437] : memref<4096x512xf32, #tpu.memory_space<hbm>> -> memref<1x512xf32, #tpu.memory_space<hbm>>
        %dma_wait3A_439 = tpu.memref_squeeze %dma_wait3A_438 : memref<1x512xf32, #tpu.memory_space<hbm>> -> memref<512xf32, #tpu.memory_space<hbm>>
        %dma_wait3A_440 = arith.constant 0 : i32
        %dma_wait3A_441 = tpu.memref_slice %arg4[%sub3A_434, %dma_wait3A_440] : memref<4096x512xf32, #tpu.memory_space<hbm>> -> memref<1x512xf32, #tpu.memory_space<hbm>>
        %dma_wait3A_442 = tpu.memref_squeeze %dma_wait3A_441 : memref<1x512xf32, #tpu.memory_space<hbm>> -> memref<512xf32, #tpu.memory_space<hbm>>
        %dma_wait3A_443 = arith.constant 0 : i32
        %dma_wait3A_444 = tpu.memref_slice %arg9[%dma_wait3A_443] : memref<528xf32, #tpu.memory_space<vmem>> -> memref<512xf32, #tpu.memory_space<vmem>>
        tpu.wait_dma2 semaphore(%arg15 : memref<!tpu.dma_semaphore, #tpu.memory_space<semaphore_mem>>) src(%dma_wait3A_444 : memref<512xf32, #tpu.memory_space<vmem>>) dst(%dma_wait3A_442 : memref<512xf32, #tpu.memory_space<hbm>>)
        %add3A_445 = arith.addi %mul3A_2, %add3A_80 : i32
        %sub3A_446 = arith.constant 2 : i32
        %sub3A_447 = arith.subi %add3A_445, %sub3A_446 : i32
        %dma_wait3A_448 = arith.constant 0 : i32
        %dma_wait3A_449 = tpu.memref_slice %arg10[%dma_wait3A_448] : memref<528xi32, #tpu.memory_space<vmem>> -> memref<512xi32, #tpu.memory_space<vmem>>
        %dma_wait3A_450 = arith.constant 0 : i32
        %dma_wait3A_451 = tpu.memref_slice %arg5[%sub3A_447, %dma_wait3A_450] : memref<4096x512xi32, #tpu.memory_space<hbm>> -> memref<1x512xi32, #tpu.memory_space<hbm>>
        %dma_wait3A_452 = tpu.memref_squeeze %dma_wait3A_451 : memref<1x512xi32, #tpu.memory_space<hbm>> -> memref<512xi32, #tpu.memory_space<hbm>>
        %dma_wait3A_453 = arith.constant 0 : i32
        %dma_wait3A_454 = tpu.memref_slice %arg5[%sub3A_447, %dma_wait3A_453] : memref<4096x512xi32, #tpu.memory_space<hbm>> -> memref<1x512xi32, #tpu.memory_space<hbm>>
        %dma_wait3A_455 = tpu.memref_squeeze %dma_wait3A_454 : memref<1x512xi32, #tpu.memory_space<hbm>> -> memref<512xi32, #tpu.memory_space<hbm>>
        %dma_wait3A_456 = arith.constant 0 : i32
        %dma_wait3A_457 = tpu.memref_slice %arg10[%dma_wait3A_456] : memref<528xi32, #tpu.memory_space<vmem>> -> memref<512xi32, #tpu.memory_space<vmem>>
        tpu.wait_dma2 semaphore(%arg15 : memref<!tpu.dma_semaphore, #tpu.memory_space<semaphore_mem>>) src(%dma_wait3A_457 : memref<512xi32, #tpu.memory_space<vmem>>) dst(%dma_wait3A_455 : memref<512xi32, #tpu.memory_space<hbm>>)
      } else {
      }
      %get3A = arith.index_cast %add3A_80 : i32 to index
      %get3A_90 = arith.constant 0 : index
      %get3A_91 = tpu.vector_load %arg8[%get3A, %get3A_90] {strides = array<i32>} : memref<128x16xf32, #tpu.memory_space<vmem>>, vector<16xf32>,
      %swap3A = arith.constant 0 : index
      %swap3A_92 = tpu.vector_load %arg9[%swap3A] {strides = array<i32>} : memref<528xf32, #tpu.memory_space<vmem>>, vector<16xf32>,
      tpu.vector_store %arg9[%swap3A], %broadcast_in_dim3A_3 {strides = array<i32>} : memref<528xf32, #tpu.memory_space<vmem>>, vector<16xf32>,
      %swap3A_93 = arith.constant 0 : index
      %swap3A_94 = tpu.vector_load %arg10[%swap3A_93] {strides = array<i32>} : memref<528xi32, #tpu.memory_space<vmem>>, vector<16xi32>,
      tpu.vector_store %arg10[%swap3A_93], %broadcast_in_dim3A_5 {strides = array<i32>} : memref<528xi32, #tpu.memory_space<vmem>>, vector<16xi32>,
      %swap3A_95 = arith.constant 16 : index
      %swap3A_96 = tpu.vector_load %arg9[%swap3A_95] {strides = array<i32>} : memref<528xf32, #tpu.memory_space<vmem>>, vector<16xf32>,
      tpu.vector_store %arg9[%swap3A_95], %broadcast_in_dim3A_3 {strides = array<i32>} : memref<528xf32, #tpu.memory_space<vmem>>, vector<16xf32>,
      %swap3A_97 = arith.constant 16 : index
      %swap3A_98 = tpu.vector_load %arg10[%swap3A_97] {strides = array<i32>} : memref<528xi32, #tpu.memory_space<vmem>>, vector<16xi32>,
      tpu.vector_store %arg10[%swap3A_97], %broadcast_in_dim3A_5 {strides = array<i32>} : memref<528xi32, #tpu.memory_space<vmem>>, vector<16xi32>,
      %swap3A_99 = arith.constant 32 : index
      %swap3A_100 = tpu.vector_load %arg9[%swap3A_99] {strides = array<i32>} : memref<528xf32, #tpu.memory_space<vmem>>, vector<16xf32>,
      tpu.vector_store %arg9[%swap3A_99], %broadcast_in_dim3A_3 {strides = array<i32>} : memref<528xf32, #tpu.memory_space<vmem>>, vector<16xf32>,
      %swap3A_101 = arith.constant 32 : index
      %swap3A_102 = tpu.vector_load %arg10[%swap3A_101] {strides = array<i32>} : memref<528xi32, #tpu.memory_space<vmem>>, vector<16xi32>,
      tpu.vector_store %arg10[%swap3A_101], %broadcast_in_dim3A_5 {strides = array<i32>} : memref<528xi32, #tpu.memory_space<vmem>>, vector<16xi32>,
      %swap3A_103 = arith.constant 48 : index
      %swap3A_104 = tpu.vector_load %arg9[%swap3A_103] {strides = array<i32>} : memref<528xf32, #tpu.memory_space<vmem>>, vector<16xf32>,
      tpu.vector_store %arg9[%swap3A_103], %broadcast_in_dim3A_3 {strides = array<i32>} : memref<528xf32, #tpu.memory_space<vmem>>, vector<16xf32>,
      %swap3A_105 = arith.constant 48 : index
      %swap3A_106 = tpu.vector_load %arg10[%swap3A_105] {strides = array<i32>} : memref<528xi32, #tpu.memory_space<vmem>>, vector<16xi32>,
      tpu.vector_store %arg10[%swap3A_105], %broadcast_in_dim3A_5 {strides = array<i32>} : memref<528xi32, #tpu.memory_space<vmem>>, vector<16xi32>,
      %swap3A_107 = arith.constant 64 : index
      %swap3A_108 = tpu.vector_load %arg9[%swap3A_107] {strides = array<i32>} : memref<528xf32, #tpu.memory_space<vmem>>, vector<16xf32>,
      tpu.vector_store %arg9[%swap3A_107], %broadcast_in_dim3A_3 {strides = array<i32>} : memref<528xf32, #tpu.memory_space<vmem>>, vector<16xf32>,
      %swap3A_109 = arith.constant 64 : index
      %swap3A_110 = tpu.vector_load %arg10[%swap3A_109] {strides = array<i32>} : memref<528xi32, #tpu.memory_space<vmem>>, vector<16xi32>,
      tpu.vector_store %arg10[%swap3A_109], %broadcast_in_dim3A_5 {strides = array<i32>} : memref<528xi32, #tpu.memory_space<vmem>>, vector<16xi32>,
      %swap3A_111 = arith.constant 80 : index
      %swap3A_112 = tpu.vector_load %arg9[%swap3A_111] {strides = array<i32>} : memref<528xf32, #tpu.memory_space<vmem>>, vector<16xf32>,
      tpu.vector_store %arg9[%swap3A_111], %broadcast_in_dim3A_3 {strides = array<i32>} : memref<528xf32, #tpu.memory_space<vmem>>, vector<16xf32>,
      %swap3A_113 = arith.constant 80 : index
      %swap3A_114 = tpu.vector_load %arg10[%swap3A_113] {strides = array<i32>} : memref<528xi32, #tpu.memory_space<vmem>>, vector<16xi32>,
      tpu.vector_store %arg10[%swap3A_113], %broadcast_in_dim3A_5 {strides = array<i32>} : memref<528xi32, #tpu.memory_space<vmem>>, vector<16xi32>,
      %swap3A_115 = arith.constant 96 : index
      %swap3A_116 = tpu.vector_load %arg9[%swap3A_115] {strides = array<i32>} : memref<528xf32, #tpu.memory_space<vmem>>, vector<16xf32>,
      tpu.vector_store %arg9[%swap3A_115], %broadcast_in_dim3A_3 {strides = array<i32>} : memref<528xf32, #tpu.memory_space<vmem>>, vector<16xf32>,
      %swap3A_117 = arith.constant 96 : index
      %swap3A_118 = tpu.vector_load %arg10[%swap3A_117] {strides = array<i32>} : memref<528xi32, #tpu.memory_space<vmem>>, vector<16xi32>,
      tpu.vector_store %arg10[%swap3A_117], %broadcast_in_dim3A_5 {strides = array<i32>} : memref<528xi32, #tpu.memory_space<vmem>>, vector<16xi32>,
      %swap3A_119 = arith.constant 112 : index
      %swap3A_120 = tpu.vector_load %arg9[%swap3A_119] {strides = array<i32>} : memref<528xf32, #tpu.memory_space<vmem>>, vector<16xf32>,
      tpu.vector_store %arg9[%swap3A_119], %broadcast_in_dim3A_3 {strides = array<i32>} : memref<528xf32, #tpu.memory_space<vmem>>, vector<16xf32>,
      %swap3A_121 = arith.constant 112 : index
      %swap3A_122 = tpu.vector_load %arg10[%swap3A_121] {strides = array<i32>} : memref<528xi32, #tpu.memory_space<vmem>>, vector<16xi32>,
      tpu.vector_store %arg10[%swap3A_121], %broadcast_in_dim3A_5 {strides = array<i32>} : memref<528xi32, #tpu.memory_space<vmem>>, vector<16xi32>,
      %swap3A_123 = arith.constant 128 : index
      %swap3A_124 = tpu.vector_load %arg9[%swap3A_123] {strides = array<i32>} : memref<528xf32, #tpu.memory_space<vmem>>, vector<16xf32>,
      tpu.vector_store %arg9[%swap3A_123], %broadcast_in_dim3A_3 {strides = array<i32>} : memref<528xf32, #tpu.memory_space<vmem>>, vector<16xf32>,
      %swap3A_125 = arith.constant 128 : index
      %swap3A_126 = tpu.vector_load %arg10[%swap3A_125] {strides = array<i32>} : memref<528xi32, #tpu.memory_space<vmem>>, vector<16xi32>,
      tpu.vector_store %arg10[%swap3A_125], %broadcast_in_dim3A_5 {strides = array<i32>} : memref<528xi32, #tpu.memory_space<vmem>>, vector<16xi32>,
      %swap3A_127 = arith.constant 144 : index
      %swap3A_128 = tpu.vector_load %arg9[%swap3A_127] {strides = array<i32>} : memref<528xf32, #tpu.memory_space<vmem>>, vector<16xf32>,
      tpu.vector_store %arg9[%swap3A_127], %broadcast_in_dim3A_3 {strides = array<i32>} : memref<528xf32, #tpu.memory_space<vmem>>, vector<16xf32>,
      %swap3A_129 = arith.constant 144 : index
      %swap3A_130 = tpu.vector_load %arg10[%swap3A_129] {strides = array<i32>} : memref<528xi32, #tpu.memory_space<vmem>>, vector<16xi32>,
      tpu.vector_store %arg10[%swap3A_129], %broadcast_in_dim3A_5 {strides = array<i32>} : memref<528xi32, #tpu.memory_space<vmem>>, vector<16xi32>,
      %swap3A_131 = arith.constant 160 : index
      %swap3A_132 = tpu.vector_load %arg9[%swap3A_131] {strides = array<i32>} : memref<528xf32, #tpu.memory_space<vmem>>, vector<16xf32>,
      tpu.vector_store %arg9[%swap3A_131], %broadcast_in_dim3A_3 {strides = array<i32>} : memref<528xf32, #tpu.memory_space<vmem>>, vector<16xf32>,
      %swap3A_133 = arith.constant 160 : index
      %swap3A_134 = tpu.vector_load %arg10[%swap3A_133] {strides = array<i32>} : memref<528xi32, #tpu.memory_space<vmem>>, vector<16xi32>,
      tpu.vector_store %arg10[%swap3A_133], %broadcast_in_dim3A_5 {strides = array<i32>} : memref<528xi32, #tpu.memory_space<vmem>>, vector<16xi32>,
      %swap3A_135 = arith.constant 176 : index
      %swap3A_136 = tpu.vector_load %arg9[%swap3A_135] {strides = array<i32>} : memref<528xf32, #tpu.memory_space<vmem>>, vector<16xf32>,
      tpu.vector_store %arg9[%swap3A_135], %broadcast_in_dim3A_3 {strides = array<i32>} : memref<528xf32, #tpu.memory_space<vmem>>, vector<16xf32>,
      %swap3A_137 = arith.constant 176 : index
      %swap3A_138 = tpu.vector_load %arg10[%swap3A_137] {strides = array<i32>} : memref<528xi32, #tpu.memory_space<vmem>>, vector<16xi32>,
      tpu.vector_store %arg10[%swap3A_137], %broadcast_in_dim3A_5 {strides = array<i32>} : memref<528xi32, #tpu.memory_space<vmem>>, vector<16xi32>,
      %swap3A_139 = arith.constant 192 : index
      %swap3A_140 = tpu.vector_load %arg9[%swap3A_139] {strides = array<i32>} : memref<528xf32, #tpu.memory_space<vmem>>, vector<16xf32>,
      tpu.vector_store %arg9[%swap3A_139], %broadcast_in_dim3A_3 {strides = array<i32>} : memref<528xf32, #tpu.memory_space<vmem>>, vector<16xf32>,
      %swap3A_141 = arith.constant 192 : index
      %swap3A_142 = tpu.vector_load %arg10[%swap3A_141] {strides = array<i32>} : memref<528xi32, #tpu.memory_space<vmem>>, vector<16xi32>,
      tpu.vector_store %arg10[%swap3A_141], %broadcast_in_dim3A_5 {strides = array<i32>} : memref<528xi32, #tpu.memory_space<vmem>>, vector<16xi32>,
      %swap3A_143 = arith.constant 208 : index
      %swap3A_144 = tpu.vector_load %arg9[%swap3A_143] {strides = array<i32>} : memref<528xf32, #tpu.memory_space<vmem>>, vector<16xf32>,
      tpu.vector_store %arg9[%swap3A_143], %broadcast_in_dim3A_3 {strides = array<i32>} : memref<528xf32, #tpu.memory_space<vmem>>, vector<16xf32>,
      %swap3A_145 = arith.constant 208 : index
      %swap3A_146 = tpu.vector_load %arg10[%swap3A_145] {strides = array<i32>} : memref<528xi32, #tpu.memory_space<vmem>>, vector<16xi32>,
      tpu.vector_store %arg10[%swap3A_145], %broadcast_in_dim3A_5 {strides = array<i32>} : memref<528xi32, #tpu.memory_space<vmem>>, vector<16xi32>,
      %swap3A_147 = arith.constant 224 : index
      %swap3A_148 = tpu.vector_load %arg9[%swap3A_147] {strides = array<i32>} : memref<528xf32, #tpu.memory_space<vmem>>, vector<16xf32>,
      tpu.vector_store %arg9[%swap3A_147], %broadcast_in_dim3A_3 {strides = array<i32>} : memref<528xf32, #tpu.memory_space<vmem>>, vector<16xf32>,
      %swap3A_149 = arith.constant 224 : index
      %swap3A_150 = tpu.vector_load %arg10[%swap3A_149] {strides = array<i32>} : memref<528xi32, #tpu.memory_space<vmem>>, vector<16xi32>,
      tpu.vector_store %arg10[%swap3A_149], %broadcast_in_dim3A_5 {strides = array<i32>} : memref<528xi32, #tpu.memory_space<vmem>>, vector<16xi32>,
      %swap3A_151 = arith.constant 240 : index
      %swap3A_152 = tpu.vector_load %arg9[%swap3A_151] {strides = array<i32>} : memref<528xf32, #tpu.memory_space<vmem>>, vector<16xf32>,
      tpu.vector_store %arg9[%swap3A_151], %broadcast_in_dim3A_3 {strides = array<i32>} : memref<528xf32, #tpu.memory_space<vmem>>, vector<16xf32>,
      %swap3A_153 = arith.constant 240 : index
      %swap3A_154 = tpu.vector_load %arg10[%swap3A_153] {strides = array<i32>} : memref<528xi32, #tpu.memory_space<vmem>>, vector<16xi32>,
      tpu.vector_store %arg10[%swap3A_153], %broadcast_in_dim3A_5 {strides = array<i32>} : memref<528xi32, #tpu.memory_space<vmem>>, vector<16xi32>,
      %swap3A_155 = arith.constant 256 : index
      %swap3A_156 = tpu.vector_load %arg9[%swap3A_155] {strides = array<i32>} : memref<528xf32, #tpu.memory_space<vmem>>, vector<16xf32>,
      tpu.vector_store %arg9[%swap3A_155], %broadcast_in_dim3A_3 {strides = array<i32>} : memref<528xf32, #tpu.memory_space<vmem>>, vector<16xf32>,
      %swap3A_157 = arith.constant 256 : index
      %swap3A_158 = tpu.vector_load %arg10[%swap3A_157] {strides = array<i32>} : memref<528xi32, #tpu.memory_space<vmem>>, vector<16xi32>,
      tpu.vector_store %arg10[%swap3A_157], %broadcast_in_dim3A_5 {strides = array<i32>} : memref<528xi32, #tpu.memory_space<vmem>>, vector<16xi32>,
      %swap3A_159 = arith.constant 272 : index
      %swap3A_160 = tpu.vector_load %arg9[%swap3A_159] {strides = array<i32>} : memref<528xf32, #tpu.memory_space<vmem>>, vector<16xf32>,
      tpu.vector_store %arg9[%swap3A_159], %broadcast_in_dim3A_3 {strides = array<i32>} : memref<528xf32, #tpu.memory_space<vmem>>, vector<16xf32>,
      %swap3A_161 = arith.constant 272 : index
      %swap3A_162 = tpu.vector_load %arg10[%swap3A_161] {strides = array<i32>} : memref<528xi32, #tpu.memory_space<vmem>>, vector<16xi32>,
      tpu.vector_store %arg10[%swap3A_161], %broadcast_in_dim3A_5 {strides = array<i32>} : memref<528xi32, #tpu.memory_space<vmem>>, vector<16xi32>,
      %swap3A_163 = arith.constant 288 : index
      %swap3A_164 = tpu.vector_load %arg9[%swap3A_163] {strides = array<i32>} : memref<528xf32, #tpu.memory_space<vmem>>, vector<16xf32>,
      tpu.vector_store %arg9[%swap3A_163], %broadcast_in_dim3A_3 {strides = array<i32>} : memref<528xf32, #tpu.memory_space<vmem>>, vector<16xf32>,
      %swap3A_165 = arith.constant 288 : index
      %swap3A_166 = tpu.vector_load %arg10[%swap3A_165] {strides = array<i32>} : memref<528xi32, #tpu.memory_space<vmem>>, vector<16xi32>,
      tpu.vector_store %arg10[%swap3A_165], %broadcast_in_dim3A_5 {strides = array<i32>} : memref<528xi32, #tpu.memory_space<vmem>>, vector<16xi32>,
      %swap3A_167 = arith.constant 304 : index
      %swap3A_168 = tpu.vector_load %arg9[%swap3A_167] {strides = array<i32>} : memref<528xf32, #tpu.memory_space<vmem>>, vector<16xf32>,
      tpu.vector_store %arg9[%swap3A_167], %broadcast_in_dim3A_3 {strides = array<i32>} : memref<528xf32, #tpu.memory_space<vmem>>, vector<16xf32>,
      %swap3A_169 = arith.constant 304 : index
      %swap3A_170 = tpu.vector_load %arg10[%swap3A_169] {strides = array<i32>} : memref<528xi32, #tpu.memory_space<vmem>>, vector<16xi32>,
      tpu.vector_store %arg10[%swap3A_169], %broadcast_in_dim3A_5 {strides = array<i32>} : memref<528xi32, #tpu.memory_space<vmem>>, vector<16xi32>,
      %swap3A_171 = arith.constant 320 : index
      %swap3A_172 = tpu.vector_load %arg9[%swap3A_171] {strides = array<i32>} : memref<528xf32, #tpu.memory_space<vmem>>, vector<16xf32>,
      tpu.vector_store %arg9[%swap3A_171], %broadcast_in_dim3A_3 {strides = array<i32>} : memref<528xf32, #tpu.memory_space<vmem>>, vector<16xf32>,
      %swap3A_173 = arith.constant 320 : index
      %swap3A_174 = tpu.vector_load %arg10[%swap3A_173] {strides = array<i32>} : memref<528xi32, #tpu.memory_space<vmem>>, vector<16xi32>,
      tpu.vector_store %arg10[%swap3A_173], %broadcast_in_dim3A_5 {strides = array<i32>} : memref<528xi32, #tpu.memory_space<vmem>>, vector<16xi32>,
      %swap3A_175 = arith.constant 336 : index
      %swap3A_176 = tpu.vector_load %arg9[%swap3A_175] {strides = array<i32>} : memref<528xf32, #tpu.memory_space<vmem>>, vector<16xf32>,
      tpu.vector_store %arg9[%swap3A_175], %broadcast_in_dim3A_3 {strides = array<i32>} : memref<528xf32, #tpu.memory_space<vmem>>, vector<16xf32>,
      %swap3A_177 = arith.constant 336 : index
      %swap3A_178 = tpu.vector_load %arg10[%swap3A_177] {strides = array<i32>} : memref<528xi32, #tpu.memory_space<vmem>>, vector<16xi32>,
      tpu.vector_store %arg10[%swap3A_177], %broadcast_in_dim3A_5 {strides = array<i32>} : memref<528xi32, #tpu.memory_space<vmem>>, vector<16xi32>,
      %swap3A_179 = arith.constant 352 : index
      %swap3A_180 = tpu.vector_load %arg9[%swap3A_179] {strides = array<i32>} : memref<528xf32, #tpu.memory_space<vmem>>, vector<16xf32>,
      tpu.vector_store %arg9[%swap3A_179], %broadcast_in_dim3A_3 {strides = array<i32>} : memref<528xf32, #tpu.memory_space<vmem>>, vector<16xf32>,
      %swap3A_181 = arith.constant 352 : index
      %swap3A_182 = tpu.vector_load %arg10[%swap3A_181] {strides = array<i32>} : memref<528xi32, #tpu.memory_space<vmem>>, vector<16xi32>,
      tpu.vector_store %arg10[%swap3A_181], %broadcast_in_dim3A_5 {strides = array<i32>} : memref<528xi32, #tpu.memory_space<vmem>>, vector<16xi32>,
      %swap3A_183 = arith.constant 368 : index
      %swap3A_184 = tpu.vector_load %arg9[%swap3A_183] {strides = array<i32>} : memref<528xf32, #tpu.memory_space<vmem>>, vector<16xf32>,
      tpu.vector_store %arg9[%swap3A_183], %broadcast_in_dim3A_3 {strides = array<i32>} : memref<528xf32, #tpu.memory_space<vmem>>, vector<16xf32>,
      %swap3A_185 = arith.constant 368 : index
      %swap3A_186 = tpu.vector_load %arg10[%swap3A_185] {strides = array<i32>} : memref<528xi32, #tpu.memory_space<vmem>>, vector<16xi32>,
      tpu.vector_store %arg10[%swap3A_185], %broadcast_in_dim3A_5 {strides = array<i32>} : memref<528xi32, #tpu.memory_space<vmem>>, vector<16xi32>,
      %swap3A_187 = arith.constant 384 : index
      %swap3A_188 = tpu.vector_load %arg9[%swap3A_187] {strides = array<i32>} : memref<528xf32, #tpu.memory_space<vmem>>, vector<16xf32>,
      tpu.vector_store %arg9[%swap3A_187], %broadcast_in_dim3A_3 {strides = array<i32>} : memref<528xf32, #tpu.memory_space<vmem>>, vector<16xf32>,
      %swap3A_189 = arith.constant 384 : index
      %swap3A_190 = tpu.vector_load %arg10[%swap3A_189] {strides = array<i32>} : memref<528xi32, #tpu.memory_space<vmem>>, vector<16xi32>,
      tpu.vector_store %arg10[%swap3A_189], %broadcast_in_dim3A_5 {strides = array<i32>} : memref<528xi32, #tpu.memory_space<vmem>>, vector<16xi32>,
      %swap3A_191 = arith.constant 400 : index
      %swap3A_192 = tpu.vector_load %arg9[%swap3A_191] {strides = array<i32>} : memref<528xf32, #tpu.memory_space<vmem>>, vector<16xf32>,
      tpu.vector_store %arg9[%swap3A_191], %broadcast_in_dim3A_3 {strides = array<i32>} : memref<528xf32, #tpu.memory_space<vmem>>, vector<16xf32>,
      %swap3A_193 = arith.constant 400 : index
      %swap3A_194 = tpu.vector_load %arg10[%swap3A_193] {strides = array<i32>} : memref<528xi32, #tpu.memory_space<vmem>>, vector<16xi32>,
      tpu.vector_store %arg10[%swap3A_193], %broadcast_in_dim3A_5 {strides = array<i32>} : memref<528xi32, #tpu.memory_space<vmem>>, vector<16xi32>,
      %swap3A_195 = arith.constant 416 : index
      %swap3A_196 = tpu.vector_load %arg9[%swap3A_195] {strides = array<i32>} : memref<528xf32, #tpu.memory_space<vmem>>, vector<16xf32>,
      tpu.vector_store %arg9[%swap3A_195], %broadcast_in_dim3A_3 {strides = array<i32>} : memref<528xf32, #tpu.memory_space<vmem>>, vector<16xf32>,
      %swap3A_197 = arith.constant 416 : index
      %swap3A_198 = tpu.vector_load %arg10[%swap3A_197] {strides = array<i32>} : memref<528xi32, #tpu.memory_space<vmem>>, vector<16xi32>,
      tpu.vector_store %arg10[%swap3A_197], %broadcast_in_dim3A_5 {strides = array<i32>} : memref<528xi32, #tpu.memory_space<vmem>>, vector<16xi32>,
      %swap3A_199 = arith.constant 432 : index
      %swap3A_200 = tpu.vector_load %arg9[%swap3A_199] {strides = array<i32>} : memref<528xf32, #tpu.memory_space<vmem>>, vector<16xf32>,
      tpu.vector_store %arg9[%swap3A_199], %broadcast_in_dim3A_3 {strides = array<i32>} : memref<528xf32, #tpu.memory_space<vmem>>, vector<16xf32>,
      %swap3A_201 = arith.constant 432 : index
      %swap3A_202 = tpu.vector_load %arg10[%swap3A_201] {strides = array<i32>} : memref<528xi32, #tpu.memory_space<vmem>>, vector<16xi32>,
      tpu.vector_store %arg10[%swap3A_201], %broadcast_in_dim3A_5 {strides = array<i32>} : memref<528xi32, #tpu.memory_space<vmem>>, vector<16xi32>,
      %swap3A_203 = arith.constant 448 : index
      %swap3A_204 = tpu.vector_load %arg9[%swap3A_203] {strides = array<i32>} : memref<528xf32, #tpu.memory_space<vmem>>, vector<16xf32>,
      tpu.vector_store %arg9[%swap3A_203], %broadcast_in_dim3A_3 {strides = array<i32>} : memref<528xf32, #tpu.memory_space<vmem>>, vector<16xf32>,
      %swap3A_205 = arith.constant 448 : index
      %swap3A_206 = tpu.vector_load %arg10[%swap3A_205] {strides = array<i32>} : memref<528xi32, #tpu.memory_space<vmem>>, vector<16xi32>,
      tpu.vector_store %arg10[%swap3A_205], %broadcast_in_dim3A_5 {strides = array<i32>} : memref<528xi32, #tpu.memory_space<vmem>>, vector<16xi32>,
      %swap3A_207 = arith.constant 464 : index
      %swap3A_208 = tpu.vector_load %arg9[%swap3A_207] {strides = array<i32>} : memref<528xf32, #tpu.memory_space<vmem>>, vector<16xf32>,
      tpu.vector_store %arg9[%swap3A_207], %broadcast_in_dim3A_3 {strides = array<i32>} : memref<528xf32, #tpu.memory_space<vmem>>, vector<16xf32>,
      %swap3A_209 = arith.constant 464 : index
      %swap3A_210 = tpu.vector_load %arg10[%swap3A_209] {strides = array<i32>} : memref<528xi32, #tpu.memory_space<vmem>>, vector<16xi32>,
      tpu.vector_store %arg10[%swap3A_209], %broadcast_in_dim3A_5 {strides = array<i32>} : memref<528xi32, #tpu.memory_space<vmem>>, vector<16xi32>,
      %swap3A_211 = arith.constant 480 : index
      %swap3A_212 = tpu.vector_load %arg9[%swap3A_211] {strides = array<i32>} : memref<528xf32, #tpu.memory_space<vmem>>, vector<16xf32>,
      tpu.vector_store %arg9[%swap3A_211], %broadcast_in_dim3A_3 {strides = array<i32>} : memref<528xf32, #tpu.memory_space<vmem>>, vector<16xf32>,
      %swap3A_213 = arith.constant 480 : index
      %swap3A_214 = tpu.vector_load %arg10[%swap3A_213] {strides = array<i32>} : memref<528xi32, #tpu.memory_space<vmem>>, vector<16xi32>,
      tpu.vector_store %arg10[%swap3A_213], %broadcast_in_dim3A_5 {strides = array<i32>} : memref<528xi32, #tpu.memory_space<vmem>>, vector<16xi32>,
      %swap3A_215 = arith.constant 496 : index
      %swap3A_216 = tpu.vector_load %arg9[%swap3A_215] {strides = array<i32>} : memref<528xf32, #tpu.memory_space<vmem>>, vector<16xf32>,
      tpu.vector_store %arg9[%swap3A_215], %broadcast_in_dim3A_3 {strides = array<i32>} : memref<528xf32, #tpu.memory_space<vmem>>, vector<16xf32>,
      %swap3A_217 = arith.constant 496 : index
      %swap3A_218 = tpu.vector_load %arg10[%swap3A_217] {strides = array<i32>} : memref<528xi32, #tpu.memory_space<vmem>>, vector<16xi32>,
      tpu.vector_store %arg10[%swap3A_217], %broadcast_in_dim3A_5 {strides = array<i32>} : memref<528xi32, #tpu.memory_space<vmem>>, vector<16xi32>,
      %scan3A_219 = arith.constant 0 : i32
      %scan3A_220 = arith.constant 0 : i32
      %scan3A_221 = arith.constant 512 : i32
      %scan3A_222 = arith.addi %scan3A_220, %scan3A_221 : i32
      %scan3A_223 = arith.constant 8 : i32
      %scan3A_224 = scf.for %scan3A_432 = %scan3A_220 to %scan3A_222 step %scan3A_223 iter_args(%scan3A_433 = %scan3A_219) -> (i32)  : i32 {
        %mul3A_434 = arith.constant 16 : i32
        %mul3A_435 = arith.muli %scan3A_432, %mul3A_434 : i32
        %get3A_436 = arith.index_cast %mul3A_435 : i32 to index
        %get3A_437 = tpu.vector_load %arg6[%get3A_436] {strides = array<i32>} : memref<8192xf32, #tpu.memory_space<vmem>>, vector<16xf32>,
        %ge3A = arith.cmpf oge, %get3A_437, %get3A_91 : vector<16xf32>
        %convert_element_type3A_438 = arith.extui %ge3A : vector<16xi1> to vector<16xi32>
        %broadcast_in_dim3A_439 = arith.constant true
        %broadcast_in_dim3A_440 = vector.broadcast %broadcast_in_dim3A_439 : i1 to vector<16xi1>
        %masked_cumsum3A = tpu.scan <sum>, %convert_element_type3A_438 masked %broadcast_in_dim3A_440 : vector<16xi32>, vector<16xi1> -> vector<16xi32>
        %add3A_441 = vector.broadcast %scan3A_433 : i32 to vector<16xi32>
        %add3A_442 = arith.addi %add3A_441, %masked_cumsum3A : vector<16xi32>
        %sub3A_443 = arith.constant 1 : i32
        %sub3A_444 = vector.broadcast %sub3A_443 : i32 to vector<16xi32>
        %sub3A_445 = arith.subi %add3A_442, %sub3A_444 : vector<16xi32>
        %min3A = arith.minsi %sub3A_445, %broadcast_in_dim3A_7 : vector<16xi32>
        tpu.vector_store_idx %arg9[%min3A], %get3A_437 masked %ge3A : memref<528xf32, #tpu.memory_space<vmem>>[vector<16xi32>], vector<16xf32>, vector<16xi1>
        %mul3A_446 = arith.constant 16 : i32
        %mul3A_447 = arith.muli %scan3A_432, %mul3A_446 : i32
        %add3A_448 = vector.broadcast %mul3A_447 : i32 to vector<16xi32>
        %add3A_449 = arith.addi %iota3A, %add3A_448 : vector<16xi32>
        tpu.vector_store_idx %arg10[%min3A], %add3A_449 masked %ge3A : memref<528xi32, #tpu.memory_space<vmem>>[vector<16xi32>], vector<16xi32>, vector<16xi1>
        %all_reduce_population_count3A = tpu.all_reduce %ge3A {dim = 0 : i64, kind = #tpu.reduction_kind<sum>} : vector<16xi1> -> vector<16xi32>
        %slice3A = vector.extract_strided_slice %all_reduce_population_count3A {offsets = [0], sizes = [1], strides = [1]} : vector<16xi32> to vector<1xi32>
        %squeeze3A = vector.extract %slice3A[0] : i32 from vector<1xi32>
        %add3A_450 = arith.addi %scan3A_433, %squeeze3A : i32
        %scan3A_451 = arith.constant 1 : i32
        %scan3A_452 = arith.addi %scan3A_432, %scan3A_451 : i32
        %mul3A_453 = arith.constant 16 : i32
        %mul3A_454 = arith.muli %scan3A_452, %mul3A_453 : i32
        %get3A_455 = arith.index_cast %mul3A_454 : i32 to index
        %get3A_456 = tpu.vector_load %arg6[%get3A_455] {strides = array<i32>} : memref<8192xf32, #tpu.memory_space<vmem>>, vector<16xf32>,
        %ge3A_457 = arith.cmpf oge, %get3A_456, %get3A_91 : vector<16xf32>
        %convert_element_type3A_458 = arith.extui %ge3A_457 : vector<16xi1> to vector<16xi32>
        %broadcast_in_dim3A_459 = arith.constant true
        %broadcast_in_dim3A_460 = vector.broadcast %broadcast_in_dim3A_459 : i1 to vector<16xi1>
        %masked_cumsum3A_461 = tpu.scan <sum>, %convert_element_type3A_458 masked %broadcast_in_dim3A_460 : vector<16xi32>, vector<16xi1> -> vector<16xi32>
        %add3A_462 = vector.broadcast %add3A_450 : i32 to vector<16xi32>
        %add3A_463 = arith.addi %add3A_462, %masked_cumsum3A_461 : vector<16xi32>
        %sub3A_464 = arith.constant 1 : i32
        %sub3A_465 = vector.broadcast %sub3A_464 : i32 to vector<16xi32>
        %sub3A_466 = arith.subi %add3A_463, %sub3A_465 : vector<16xi32>
        %min3A_467 = arith.minsi %sub3A_466, %broadcast_in_dim3A_7 : vector<16xi32>
        tpu.vector_store_idx %arg9[%min3A_467], %get3A_456 masked %ge3A_457 : memref<528xf32, #tpu.memory_space<vmem>>[vector<16xi32>], vector<16xf32>, vector<16xi1>
        %mul3A_468 = arith.constant 16 : i32
        %mul3A_469 = arith.muli %scan3A_452, %mul3A_468 : i32
        %add3A_470 = vector.broadcast %mul3A_469 : i32 to vector<16xi32>
        %add3A_471 = arith.addi %iota3A, %add3A_470 : vector<16xi32>
        tpu.vector_store_idx %arg10[%min3A_467], %add3A_471 masked %ge3A_457 : memref<528xi32, #tpu.memory_space<vmem>>[vector<16xi32>], vector<16xi32>, vector<16xi1>
        %all_reduce_population_count3A_472 = tpu.all_reduce %ge3A_457 {dim = 0 : i64, kind = #tpu.reduction_kind<sum>} : vector<16xi1> -> vector<16xi32>
        %slice3A_473 = vector.extract_strided_slice %all_reduce_population_count3A_472 {offsets = [0], sizes = [1], strides = [1]} : vector<16xi32> to vector<1xi32>
        %squeeze3A_474 = vector.extract %slice3A_473[0] : i32 from vector<1xi32>
        %add3A_475 = arith.addi %add3A_450, %squeeze3A_474 : i32
        %scan3A_476 = arith.constant 2 : i32
        %scan3A_477 = arith.addi %scan3A_432, %scan3A_476 : i32
        %mul3A_478 = arith.constant 16 : i32
        %mul3A_479 = arith.muli %scan3A_477, %mul3A_478 : i32
        %get3A_480 = arith.index_cast %mul3A_479 : i32 to index
        %get3A_481 = tpu.vector_load %arg6[%get3A_480] {strides = array<i32>} : memref<8192xf32, #tpu.memory_space<vmem>>, vector<16xf32>,
        %ge3A_482 = arith.cmpf oge, %get3A_481, %get3A_91 : vector<16xf32>
        %convert_element_type3A_483 = arith.extui %ge3A_482 : vector<16xi1> to vector<16xi32>
        %broadcast_in_dim3A_484 = arith.constant true
        %broadcast_in_dim3A_485 = vector.broadcast %broadcast_in_dim3A_484 : i1 to vector<16xi1>
        %masked_cumsum3A_486 = tpu.scan <sum>, %convert_element_type3A_483 masked %broadcast_in_dim3A_485 : vector<16xi32>, vector<16xi1> -> vector<16xi32>
        %add3A_487 = vector.broadcast %add3A_475 : i32 to vector<16xi32>
        %add3A_488 = arith.addi %add3A_487, %masked_cumsum3A_486 : vector<16xi32>
        %sub3A_489 = arith.constant 1 : i32
        %sub3A_490 = vector.broadcast %sub3A_489 : i32 to vector<16xi32>
        %sub3A_491 = arith.subi %add3A_488, %sub3A_490 : vector<16xi32>
        %min3A_492 = arith.minsi %sub3A_491, %broadcast_in_dim3A_7 : vector<16xi32>
        tpu.vector_store_idx %arg9[%min3A_492], %get3A_481 masked %ge3A_482 : memref<528xf32, #tpu.memory_space<vmem>>[vector<16xi32>], vector<16xf32>, vector<16xi1>
        %mul3A_493 = arith.constant 16 : i32
        %mul3A_494 = arith.muli %scan3A_477, %mul3A_493 : i32
        %add3A_495 = vector.broadcast %mul3A_494 : i32 to vector<16xi32>
        %add3A_496 = arith.addi %iota3A, %add3A_495 : vector<16xi32>
        tpu.vector_store_idx %arg10[%min3A_492], %add3A_496 masked %ge3A_482 : memref<528xi32, #tpu.memory_space<vmem>>[vector<16xi32>], vector<16xi32>, vector<16xi1>
        %all_reduce_population_count3A_497 = tpu.all_reduce %ge3A_482 {dim = 0 : i64, kind = #tpu.reduction_kind<sum>} : vector<16xi1> -> vector<16xi32>
        %slice3A_498 = vector.extract_strided_slice %all_reduce_population_count3A_497 {offsets = [0], sizes = [1], strides = [1]} : vector<16xi32> to vector<1xi32>
        %squeeze3A_499 = vector.extract %slice3A_498[0] : i32 from vector<1xi32>
        %add3A_500 = arith.addi %add3A_475, %squeeze3A_499 : i32
        %scan3A_501 = arith.constant 3 : i32
        %scan3A_502 = arith.addi %scan3A_432, %scan3A_501 : i32
        %mul3A_503 = arith.constant 16 : i32
        %mul3A_504 = arith.muli %scan3A_502, %mul3A_503 : i32
        %get3A_505 = arith.index_cast %mul3A_504 : i32 to index
        %get3A_506 = tpu.vector_load %arg6[%get3A_505] {strides = array<i32>} : memref<8192xf32, #tpu.memory_space<vmem>>, vector<16xf32>,
        %ge3A_507 = arith.cmpf oge, %get3A_506, %get3A_91 : vector<16xf32>
        %convert_element_type3A_508 = arith.extui %ge3A_507 : vector<16xi1> to vector<16xi32>
        %broadcast_in_dim3A_509 = arith.constant true
        %broadcast_in_dim3A_510 = vector.broadcast %broadcast_in_dim3A_509 : i1 to vector<16xi1>
        %masked_cumsum3A_511 = tpu.scan <sum>, %convert_element_type3A_508 masked %broadcast_in_dim3A_510 : vector<16xi32>, vector<16xi1> -> vector<16xi32>
        %add3A_512 = vector.broadcast %add3A_500 : i32 to vector<16xi32>
        %add3A_513 = arith.addi %add3A_512, %masked_cumsum3A_511 : vector<16xi32>
        %sub3A_514 = arith.constant 1 : i32
        %sub3A_515 = vector.broadcast %sub3A_514 : i32 to vector<16xi32>
        %sub3A_516 = arith.subi %add3A_513, %sub3A_515 : vector<16xi32>
        %min3A_517 = arith.minsi %sub3A_516, %broadcast_in_dim3A_7 : vector<16xi32>
        tpu.vector_store_idx %arg9[%min3A_517], %get3A_506 masked %ge3A_507 : memref<528xf32, #tpu.memory_space<vmem>>[vector<16xi32>], vector<16xf32>, vector<16xi1>
        %mul3A_518 = arith.constant 16 : i32
        %mul3A_519 = arith.muli %scan3A_502, %mul3A_518 : i32
        %add3A_520 = vector.broadcast %mul3A_519 : i32 to vector<16xi32>
        %add3A_521 = arith.addi %iota3A, %add3A_520 : vector<16xi32>
        tpu.vector_store_idx %arg10[%min3A_517], %add3A_521 masked %ge3A_507 : memref<528xi32, #tpu.memory_space<vmem>>[vector<16xi32>], vector<16xi32>, vector<16xi1>
        %all_reduce_population_count3A_522 = tpu.all_reduce %ge3A_507 {dim = 0 : i64, kind = #tpu.reduction_kind<sum>} : vector<16xi1> -> vector<16xi32>
        %slice3A_523 = vector.extract_strided_slice %all_reduce_population_count3A_522 {offsets = [0], sizes = [1], strides = [1]} : vector<16xi32> to vector<1xi32>
        %squeeze3A_524 = vector.extract %slice3A_523[0] : i32 from vector<1xi32>
        %add3A_525 = arith.addi %add3A_500, %squeeze3A_524 : i32
        %scan3A_526 = arith.constant 4 : i32
        %scan3A_527 = arith.addi %scan3A_432, %scan3A_526 : i32
        %mul3A_528 = arith.constant 16 : i32
        %mul3A_529 = arith.muli %scan3A_527, %mul3A_528 : i32
        %get3A_530 = arith.index_cast %mul3A_529 : i32 to index
        %get3A_531 = tpu.vector_load %arg6[%get3A_530] {strides = array<i32>} : memref<8192xf32, #tpu.memory_space<vmem>>, vector<16xf32>,
        %ge3A_532 = arith.cmpf oge, %get3A_531, %get3A_91 : vector<16xf32>
        %convert_element_type3A_533 = arith.extui %ge3A_532 : vector<16xi1> to vector<16xi32>
        %broadcast_in_dim3A_534 = arith.constant true
        %broadcast_in_dim3A_535 = vector.broadcast %broadcast_in_dim3A_534 : i1 to vector<16xi1>
        %masked_cumsum3A_536 = tpu.scan <sum>, %convert_element_type3A_533 masked %broadcast_in_dim3A_535 : vector<16xi32>, vector<16xi1> -> vector<16xi32>
        %add3A_537 = vector.broadcast %add3A_525 : i32 to vector<16xi32>
        %add3A_538 = arith.addi %add3A_537, %masked_cumsum3A_536 : vector<16xi32>
        %sub3A_539 = arith.constant 1 : i32
        %sub3A_540 = vector.broadcast %sub3A_539 : i32 to vector<16xi32>
        %sub3A_541 = arith.subi %add3A_538, %sub3A_540 : vector<16xi32>
        %min3A_542 = arith.minsi %sub3A_541, %broadcast_in_dim3A_7 : vector<16xi32>
        tpu.vector_store_idx %arg9[%min3A_542], %get3A_531 masked %ge3A_532 : memref<528xf32, #tpu.memory_space<vmem>>[vector<16xi32>], vector<16xf32>, vector<16xi1>
        %mul3A_543 = arith.constant 16 : i32
        %mul3A_544 = arith.muli %scan3A_527, %mul3A_543 : i32
        %add3A_545 = vector.broadcast %mul3A_544 : i32 to vector<16xi32>
        %add3A_546 = arith.addi %iota3A, %add3A_545 : vector<16xi32>
        tpu.vector_store_idx %arg10[%min3A_542], %add3A_546 masked %ge3A_532 : memref<528xi32, #tpu.memory_space<vmem>>[vector<16xi32>], vector<16xi32>, vector<16xi1>
        %all_reduce_population_count3A_547 = tpu.all_reduce %ge3A_532 {dim = 0 : i64, kind = #tpu.reduction_kind<sum>} : vector<16xi1> -> vector<16xi32>
        %slice3A_548 = vector.extract_strided_slice %all_reduce_population_count3A_547 {offsets = [0], sizes = [1], strides = [1]} : vector<16xi32> to vector<1xi32>
        %squeeze3A_549 = vector.extract %slice3A_548[0] : i32 from vector<1xi32>
        %add3A_550 = arith.addi %add3A_525, %squeeze3A_549 : i32
        %scan3A_551 = arith.constant 5 : i32
        %scan3A_552 = arith.addi %scan3A_432, %scan3A_551 : i32
        %mul3A_553 = arith.constant 16 : i32
        %mul3A_554 = arith.muli %scan3A_552, %mul3A_553 : i32
        %get3A_555 = arith.index_cast %mul3A_554 : i32 to index
        %get3A_556 = tpu.vector_load %arg6[%get3A_555] {strides = array<i32>} : memref<8192xf32, #tpu.memory_space<vmem>>, vector<16xf32>,
        %ge3A_557 = arith.cmpf oge, %get3A_556, %get3A_91 : vector<16xf32>
        %convert_element_type3A_558 = arith.extui %ge3A_557 : vector<16xi1> to vector<16xi32>
        %broadcast_in_dim3A_559 = arith.constant true
        %broadcast_in_dim3A_560 = vector.broadcast %broadcast_in_dim3A_559 : i1 to vector<16xi1>
        %masked_cumsum3A_561 = tpu.scan <sum>, %convert_element_type3A_558 masked %broadcast_in_dim3A_560 : vector<16xi32>, vector<16xi1> -> vector<16xi32>
        %add3A_562 = vector.broadcast %add3A_550 : i32 to vector<16xi32>
        %add3A_563 = arith.addi %add3A_562, %masked_cumsum3A_561 : vector<16xi32>
        %sub3A_564 = arith.constant 1 : i32
        %sub3A_565 = vector.broadcast %sub3A_564 : i32 to vector<16xi32>
        %sub3A_566 = arith.subi %add3A_563, %sub3A_565 : vector<16xi32>
        %min3A_567 = arith.minsi %sub3A_566, %broadcast_in_dim3A_7 : vector<16xi32>
        tpu.vector_store_idx %arg9[%min3A_567], %get3A_556 masked %ge3A_557 : memref<528xf32, #tpu.memory_space<vmem>>[vector<16xi32>], vector<16xf32>, vector<16xi1>
        %mul3A_568 = arith.constant 16 : i32
        %mul3A_569 = arith.muli %scan3A_552, %mul3A_568 : i32
        %add3A_570 = vector.broadcast %mul3A_569 : i32 to vector<16xi32>
        %add3A_571 = arith.addi %iota3A, %add3A_570 : vector<16xi32>
        tpu.vector_store_idx %arg10[%min3A_567], %add3A_571 masked %ge3A_557 : memref<528xi32, #tpu.memory_space<vmem>>[vector<16xi32>], vector<16xi32>, vector<16xi1>
        %all_reduce_population_count3A_572 = tpu.all_reduce %ge3A_557 {dim = 0 : i64, kind = #tpu.reduction_kind<sum>} : vector<16xi1> -> vector<16xi32>
        %slice3A_573 = vector.extract_strided_slice %all_reduce_population_count3A_572 {offsets = [0], sizes = [1], strides = [1]} : vector<16xi32> to vector<1xi32>
        %squeeze3A_574 = vector.extract %slice3A_573[0] : i32 from vector<1xi32>
        %add3A_575 = arith.addi %add3A_550, %squeeze3A_574 : i32
        %scan3A_576 = arith.constant 6 : i32
        %scan3A_577 = arith.addi %scan3A_432, %scan3A_576 : i32
        %mul3A_578 = arith.constant 16 : i32
        %mul3A_579 = arith.muli %scan3A_577, %mul3A_578 : i32
        %get3A_580 = arith.index_cast %mul3A_579 : i32 to index
        %get3A_581 = tpu.vector_load %arg6[%get3A_580] {strides = array<i32>} : memref<8192xf32, #tpu.memory_space<vmem>>, vector<16xf32>,
        %ge3A_582 = arith.cmpf oge, %get3A_581, %get3A_91 : vector<16xf32>
        %convert_element_type3A_583 = arith.extui %ge3A_582 : vector<16xi1> to vector<16xi32>
        %broadcast_in_dim3A_584 = arith.constant true
        %broadcast_in_dim3A_585 = vector.broadcast %broadcast_in_dim3A_584 : i1 to vector<16xi1>
        %masked_cumsum3A_586 = tpu.scan <sum>, %convert_element_type3A_583 masked %broadcast_in_dim3A_585 : vector<16xi32>, vector<16xi1> -> vector<16xi32>
        %add3A_587 = vector.broadcast %add3A_575 : i32 to vector<16xi32>
        %add3A_588 = arith.addi %add3A_587, %masked_cumsum3A_586 : vector<16xi32>
        %sub3A_589 = arith.constant 1 : i32
        %sub3A_590 = vector.broadcast %sub3A_589 : i32 to vector<16xi32>
        %sub3A_591 = arith.subi %add3A_588, %sub3A_590 : vector<16xi32>
        %min3A_592 = arith.minsi %sub3A_591, %broadcast_in_dim3A_7 : vector<16xi32>
        tpu.vector_store_idx %arg9[%min3A_592], %get3A_581 masked %ge3A_582 : memref<528xf32, #tpu.memory_space<vmem>>[vector<16xi32>], vector<16xf32>, vector<16xi1>
        %mul3A_593 = arith.constant 16 : i32
        %mul3A_594 = arith.muli %scan3A_577, %mul3A_593 : i32
        %add3A_595 = vector.broadcast %mul3A_594 : i32 to vector<16xi32>
        %add3A_596 = arith.addi %iota3A, %add3A_595 : vector<16xi32>
        tpu.vector_store_idx %arg10[%min3A_592], %add3A_596 masked %ge3A_582 : memref<528xi32, #tpu.memory_space<vmem>>[vector<16xi32>], vector<16xi32>, vector<16xi1>
        %all_reduce_population_count3A_597 = tpu.all_reduce %ge3A_582 {dim = 0 : i64, kind = #tpu.reduction_kind<sum>} : vector<16xi1> -> vector<16xi32>
        %slice3A_598 = vector.extract_strided_slice %all_reduce_population_count3A_597 {offsets = [0], sizes = [1], strides = [1]} : vector<16xi32> to vector<1xi32>
        %squeeze3A_599 = vector.extract %slice3A_598[0] : i32 from vector<1xi32>
        %add3A_600 = arith.addi %add3A_575, %squeeze3A_599 : i32
        %scan3A_601 = arith.constant 7 : i32
        %scan3A_602 = arith.addi %scan3A_432, %scan3A_601 : i32
        %mul3A_603 = arith.constant 16 : i32
        %mul3A_604 = arith.muli %scan3A_602, %mul3A_603 : i32
        %get3A_605 = arith.index_cast %mul3A_604 : i32 to index
        %get3A_606 = tpu.vector_load %arg6[%get3A_605] {strides = array<i32>} : memref<8192xf32, #tpu.memory_space<vmem>>, vector<16xf32>,
        %ge3A_607 = arith.cmpf oge, %get3A_606, %get3A_91 : vector<16xf32>
        %convert_element_type3A_608 = arith.extui %ge3A_607 : vector<16xi1> to vector<16xi32>
        %broadcast_in_dim3A_609 = arith.constant true
        %broadcast_in_dim3A_610 = vector.broadcast %broadcast_in_dim3A_609 : i1 to vector<16xi1>
        %masked_cumsum3A_611 = tpu.scan <sum>, %convert_element_type3A_608 masked %broadcast_in_dim3A_610 : vector<16xi32>, vector<16xi1> -> vector<16xi32>
        %add3A_612 = vector.broadcast %add3A_600 : i32 to vector<16xi32>
        %add3A_613 = arith.addi %add3A_612, %masked_cumsum3A_611 : vector<16xi32>
        %sub3A_614 = arith.constant 1 : i32
        %sub3A_615 = vector.broadcast %sub3A_614 : i32 to vector<16xi32>
        %sub3A_616 = arith.subi %add3A_613, %sub3A_615 : vector<16xi32>
        %min3A_617 = arith.minsi %sub3A_616, %broadcast_in_dim3A_7 : vector<16xi32>
        tpu.vector_store_idx %arg9[%min3A_617], %get3A_606 masked %ge3A_607 : memref<528xf32, #tpu.memory_space<vmem>>[vector<16xi32>], vector<16xf32>, vector<16xi1>
        %mul3A_618 = arith.constant 16 : i32
        %mul3A_619 = arith.muli %scan3A_602, %mul3A_618 : i32
        %add3A_620 = vector.broadcast %mul3A_619 : i32 to vector<16xi32>
        %add3A_621 = arith.addi %iota3A, %add3A_620 : vector<16xi32>
        tpu.vector_store_idx %arg10[%min3A_617], %add3A_621 masked %ge3A_607 : memref<528xi32, #tpu.memory_space<vmem>>[vector<16xi32>], vector<16xi32>, vector<16xi1>
        %all_reduce_population_count3A_622 = tpu.all_reduce %ge3A_607 {dim = 0 : i64, kind = #tpu.reduction_kind<sum>} : vector<16xi1> -> vector<16xi32>
        %slice3A_623 = vector.extract_strided_slice %all_reduce_population_count3A_622 {offsets = [0], sizes = [1], strides = [1]} : vector<16xi32> to vector<1xi32>
        %squeeze3A_624 = vector.extract %slice3A_623[0] : i32 from vector<1xi32>
        %add3A_625 = arith.addi %add3A_600, %squeeze3A_624 : i32
        scf.yield %add3A_625 : i32
      }
      %scan3A_225 = arith.constant 512 : i32
      %lt3A = arith.constant 63 : i32
      %lt3A_226 = arith.cmpi slt, %scan3A_75, %lt3A : i32
      %convert_element_type3A_227 = arith.extui %lt3A_226 : i1 to i32
      %cond3A_228 = arith.constant 0 : i32
      %cond3A_229 = arith.cmpi ne, %convert_element_type3A_227, %cond3A_228 : i32
      scf.if %cond3A_229 {
        %add3A_432 = arith.addi %mul3A_2, %add3A_80 : i32
        %add3A_433 = arith.constant 2 : i32
        %add3A_434 = arith.addi %add3A_432, %add3A_433 : i32
        %dma_start3A_435 = arith.constant 0 : i32
        %dma_start3A_436 = tpu.memref_slice %arg2[%add3A_434, %dma_start3A_435] : memref<4096x8192xf32, #tpu.memory_space<hbm>> -> memref<1x8192xf32, #tpu.memory_space<hbm>>
        %dma_start3A_437 = tpu.memref_squeeze %dma_start3A_436 : memref<1x8192xf32, #tpu.memory_space<hbm>> -> memref<8192xf32, #tpu.memory_space<hbm>>
        %dma_start3A_438 = arith.constant 0 : i32
        %dma_start3A_439 = tpu.memref_slice %arg2[%add3A_434, %dma_start3A_438] : memref<4096x8192xf32, #tpu.memory_space<hbm>> -> memref<1x8192xf32, #tpu.memory_space<hbm>>
        %dma_start3A_440 = tpu.memref_squeeze %dma_start3A_439 : memref<1x8192xf32, #tpu.memory_space<hbm>> -> memref<8192xf32, #tpu.memory_space<hbm>>
        tpu.enqueue_dma source(%dma_start3A_440 : memref<8192xf32, #tpu.memory_space<hbm>>) target(%arg6 : memref<8192xf32, #tpu.memory_space<vmem>>) target_semaphore(%arg13 : memref<!tpu.dma_semaphore, #tpu.memory_space<semaphore_mem>>)
      } else {
      }
      %add3A_230 = arith.addi %mul3A_2, %add3A_80 : i32
      %dma_start3A_231 = arith.constant 0 : i32
      %dma_start3A_232 = tpu.memref_slice %arg9[%dma_start3A_231] : memref<528xf32, #tpu.memory_space<vmem>> -> memref<512xf32, #tpu.memory_space<vmem>>
      %dma_start3A_233 = arith.constant 0 : i32
      %dma_start3A_234 = tpu.memref_slice %arg4[%add3A_230, %dma_start3A_233] : memref<4096x512xf32, #tpu.memory_space<hbm>> -> memref<1x512xf32, #tpu.memory_space<hbm>>
      %dma_start3A_235 = tpu.memref_squeeze %dma_start3A_234 : memref<1x512xf32, #tpu.memory_space<hbm>> -> memref<512xf32, #tpu.memory_space<hbm>>
      %dma_start3A_236 = arith.constant 0 : i32
      %dma_start3A_237 = tpu.memref_slice %arg4[%add3A_230, %dma_start3A_236] : memref<4096x512xf32, #tpu.memory_space<hbm>> -> memref<1x512xf32, #tpu.memory_space<hbm>>
      %dma_start3A_238 = tpu.memref_squeeze %dma_start3A_237 : memref<1x512xf32, #tpu.memory_space<hbm>> -> memref<512xf32, #tpu.memory_space<hbm>>
      %dma_start3A_239 = arith.constant 0 : i32
      %dma_start3A_240 = tpu.memref_slice %arg9[%dma_start3A_239] : memref<528xf32, #tpu.memory_space<vmem>> -> memref<512xf32, #tpu.memory_space<vmem>>
      tpu.enqueue_dma source(%dma_start3A_240 : memref<512xf32, #tpu.memory_space<vmem>>) target(%dma_start3A_238 : memref<512xf32, #tpu.memory_space<hbm>>) target_semaphore(%arg15 : memref<!tpu.dma_semaphore, #tpu.memory_space<semaphore_mem>>)
      %add3A_241 = arith.addi %mul3A_2, %add3A_80 : i32
      %dma_start3A_242 = arith.constant 0 : i32
      %dma_start3A_243 = tpu.memref_slice %arg10[%dma_start3A_242] : memref<528xi32, #tpu.memory_space<vmem>> -> memref<512xi32, #tpu.memory_space<vmem>>
      %dma_start3A_244 = arith.constant 0 : i32
      %dma_start3A_245 = tpu.memref_slice %arg5[%add3A_241, %dma_start3A_244] : memref<4096x512xi32, #tpu.memory_space<hbm>> -> memref<1x512xi32, #tpu.memory_space<hbm>>
      %dma_start3A_246 = tpu.memref_squeeze %dma_start3A_245 : memref<1x512xi32, #tpu.memory_space<hbm>> -> memref<512xi32, #tpu.memory_space<hbm>>
      %dma_start3A_247 = arith.constant 0 : i32
      %dma_start3A_248 = tpu.memref_slice %arg5[%add3A_241, %dma_start3A_247] : memref<4096x512xi32, #tpu.memory_space<hbm>> -> memref<1x512xi32, #tpu.memory_space<hbm>>
      %dma_start3A_249 = tpu.memref_squeeze %dma_start3A_248 : memref<1x512xi32, #tpu.memory_space<hbm>> -> memref<512xi32, #tpu.memory_space<hbm>>
      %dma_start3A_250 = arith.constant 0 : i32
      %dma_start3A_251 = tpu.memref_slice %arg10[%dma_start3A_250] : memref<528xi32, #tpu.memory_space<vmem>> -> memref<512xi32, #tpu.memory_space<vmem>>
      tpu.enqueue_dma source(%dma_start3A_251 : memref<512xi32, #tpu.memory_space<vmem>>) target(%dma_start3A_249 : memref<512xi32, #tpu.memory_space<hbm>>) target_semaphore(%arg15 : memref<!tpu.dma_semaphore, #tpu.memory_space<semaphore_mem>>)
      %add3A_252 = arith.constant 1 : i32
      %add3A_253 = arith.addi %mul3A_78, %add3A_252 : i32
      %add3A_254 = arith.addi %mul3A_2, %add3A_253 : i32
      %dma_wait3A_255 = arith.constant 0 : i32
      %dma_wait3A_256 = tpu.memref_slice %arg2[%add3A_254, %dma_wait3A_255] : memref<4096x8192xf32, #tpu.memory_space<hbm>> -> memref<1x8192xf32, #tpu.memory_space<hbm>>
      %dma_wait3A_257 = tpu.memref_squeeze %dma_wait3A_256 : memref<1x8192xf32, #tpu.memory_space<hbm>> -> memref<8192xf32, #tpu.memory_space<hbm>>
      %dma_wait3A_258 = arith.constant 0 : i32
      %dma_wait3A_259 = tpu.memref_slice %arg2[%add3A_254, %dma_wait3A_258] : memref<4096x8192xf32, #tpu.memory_space<hbm>> -> memref<1x8192xf32, #tpu.memory_space<hbm>>
      %dma_wait3A_260 = tpu.memref_squeeze %dma_wait3A_259 : memref<1x8192xf32, #tpu.memory_space<hbm>> -> memref<8192xf32, #tpu.memory_space<hbm>>
      tpu.wait_dma2 semaphore(%arg14 : memref<!tpu.dma_semaphore, #tpu.memory_space<semaphore_mem>>) src(%dma_wait3A_260 : memref<8192xf32, #tpu.memory_space<hbm>>) dst(%arg7 : memref<8192xf32, #tpu.memory_space<vmem>>)
      %gt3A_261 = arith.constant 0 : i32
      %gt3A_262 = arith.cmpi sgt, %scan3A_75, %gt3A_261 : i32
      %convert_element_type3A_263 = arith.extui %gt3A_262 : i1 to i32
      %cond3A_264 = arith.constant 0 : i32
      %cond3A_265 = arith.cmpi ne, %convert_element_type3A_263, %cond3A_264 : i32
      scf.if %cond3A_265 {
        %add3A_432 = arith.addi %mul3A_2, %add3A_253 : i32
        %sub3A_433 = arith.constant 2 : i32
        %sub3A_434 = arith.subi %add3A_432, %sub3A_433 : i32
        %dma_wait3A_435 = arith.constant 0 : i32
        %dma_wait3A_436 = tpu.memref_slice %arg11[%dma_wait3A_435] : memref<528xf32, #tpu.memory_space<vmem>> -> memref<512xf32, #tpu.memory_space<vmem>>
        %dma_wait3A_437 = arith.constant 0 : i32
        %dma_wait3A_438 = tpu.memref_slice %arg4[%sub3A_434, %dma_wait3A_437] : memref<4096x512xf32, #tpu.memory_space<hbm>> -> memref<1x512xf32, #tpu.memory_space<hbm>>
        %dma_wait3A_439 = tpu.memref_squeeze %dma_wait3A_438 : memref<1x512xf32, #tpu.memory_space<hbm>> -> memref<512xf32, #tpu.memory_space<hbm>>
        %dma_wait3A_440 = arith.constant 0 : i32
        %dma_wait3A_441 = tpu.memref_slice %arg4[%sub3A_434, %dma_wait3A_440] : memref<4096x512xf32, #tpu.memory_space<hbm>> -> memref<1x512xf32, #tpu.memory_space<hbm>>
        %dma_wait3A_442 = tpu.memref_squeeze %dma_wait3A_441 : memref<1x512xf32, #tpu.memory_space<hbm>> -> memref<512xf32, #tpu.memory_space<hbm>>
        %dma_wait3A_443 = arith.constant 0 : i32
        %dma_wait3A_444 = tpu.memref_slice %arg11[%dma_wait3A_443] : memref<528xf32, #tpu.memory_space<vmem>> -> memref<512xf32, #tpu.memory_space<vmem>>
        tpu.wait_dma2 semaphore(%arg16 : memref<!tpu.dma_semaphore, #tpu.memory_space<semaphore_mem>>) src(%dma_wait3A_444 : memref<512xf32, #tpu.memory_space<vmem>>) dst(%dma_wait3A_442 : memref<512xf32, #tpu.memory_space<hbm>>)
        %add3A_445 = arith.addi %mul3A_2, %add3A_253 : i32
        %sub3A_446 = arith.constant 2 : i32
        %sub3A_447 = arith.subi %add3A_445, %sub3A_446 : i32
        %dma_wait3A_448 = arith.constant 0 : i32
        %dma_wait3A_449 = tpu.memref_slice %arg12[%dma_wait3A_448] : memref<528xi32, #tpu.memory_space<vmem>> -> memref<512xi32, #tpu.memory_space<vmem>>
        %dma_wait3A_450 = arith.constant 0 : i32
        %dma_wait3A_451 = tpu.memref_slice %arg5[%sub3A_447, %dma_wait3A_450] : memref<4096x512xi32, #tpu.memory_space<hbm>> -> memref<1x512xi32, #tpu.memory_space<hbm>>
        %dma_wait3A_452 = tpu.memref_squeeze %dma_wait3A_451 : memref<1x512xi32, #tpu.memory_space<hbm>> -> memref<512xi32, #tpu.memory_space<hbm>>
        %dma_wait3A_453 = arith.constant 0 : i32
        %dma_wait3A_454 = tpu.memref_slice %arg5[%sub3A_447, %dma_wait3A_453] : memref<4096x512xi32, #tpu.memory_space<hbm>> -> memref<1x512xi32, #tpu.memory_space<hbm>>
        %dma_wait3A_455 = tpu.memref_squeeze %dma_wait3A_454 : memref<1x512xi32, #tpu.memory_space<hbm>> -> memref<512xi32, #tpu.memory_space<hbm>>
        %dma_wait3A_456 = arith.constant 0 : i32
        %dma_wait3A_457 = tpu.memref_slice %arg12[%dma_wait3A_456] : memref<528xi32, #tpu.memory_space<vmem>> -> memref<512xi32, #tpu.memory_space<vmem>>
        tpu.wait_dma2 semaphore(%arg16 : memref<!tpu.dma_semaphore, #tpu.memory_space<semaphore_mem>>) src(%dma_wait3A_457 : memref<512xi32, #tpu.memory_space<vmem>>) dst(%dma_wait3A_455 : memref<512xi32, #tpu.memory_space<hbm>>)
      } else {
      }
      %get3A_266 = arith.index_cast %add3A_253 : i32 to index
      %get3A_267 = arith.constant 0 : index
      %get3A_268 = tpu.vector_load %arg8[%get3A_266, %get3A_267] {strides = array<i32>} : memref<128x16xf32, #tpu.memory_space<vmem>>, vector<16xf32>,
      %swap3A_269 = arith.constant 0 : index
      %swap3A_270 = tpu.vector_load %arg11[%swap3A_269] {strides = array<i32>} : memref<528xf32, #tpu.memory_space<vmem>>, vector<16xf32>,
      tpu.vector_store %arg11[%swap3A_269], %broadcast_in_dim3A_3 {strides = array<i32>} : memref<528xf32, #tpu.memory_space<vmem>>, vector<16xf32>,
      %swap3A_271 = arith.constant 0 : index
      %swap3A_272 = tpu.vector_load %arg12[%swap3A_271] {strides = array<i32>} : memref<528xi32, #tpu.memory_space<vmem>>, vector<16xi32>,
      tpu.vector_store %arg12[%swap3A_271], %broadcast_in_dim3A_5 {strides = array<i32>} : memref<528xi32, #tpu.memory_space<vmem>>, vector<16xi32>,
      %swap3A_273 = arith.constant 16 : index
      %swap3A_274 = tpu.vector_load %arg11[%swap3A_273] {strides = array<i32>} : memref<528xf32, #tpu.memory_space<vmem>>, vector<16xf32>,
      tpu.vector_store %arg11[%swap3A_273], %broadcast_in_dim3A_3 {strides = array<i32>} : memref<528xf32, #tpu.memory_space<vmem>>, vector<16xf32>,
      %swap3A_275 = arith.constant 16 : index
      %swap3A_276 = tpu.vector_load %arg12[%swap3A_275] {strides = array<i32>} : memref<528xi32, #tpu.memory_space<vmem>>, vector<16xi32>,
      tpu.vector_store %arg12[%swap3A_275], %broadcast_in_dim3A_5 {strides = array<i32>} : memref<528xi32, #tpu.memory_space<vmem>>, vector<16xi32>,
      %swap3A_277 = arith.constant 32 : index
      %swap3A_278 = tpu.vector_load %arg11[%swap3A_277] {strides = array<i32>} : memref<528xf32, #tpu.memory_space<vmem>>, vector<16xf32>,
      tpu.vector_store %arg11[%swap3A_277], %broadcast_in_dim3A_3 {strides = array<i32>} : memref<528xf32, #tpu.memory_space<vmem>>, vector<16xf32>,
      %swap3A_279 = arith.constant 32 : index
      %swap3A_280 = tpu.vector_load %arg12[%swap3A_279] {strides = array<i32>} : memref<528xi32, #tpu.memory_space<vmem>>, vector<16xi32>,
      tpu.vector_store %arg12[%swap3A_279], %broadcast_in_dim3A_5 {strides = array<i32>} : memref<528xi32, #tpu.memory_space<vmem>>, vector<16xi32>,
      %swap3A_281 = arith.constant 48 : index
      %swap3A_282 = tpu.vector_load %arg11[%swap3A_281] {strides = array<i32>} : memref<528xf32, #tpu.memory_space<vmem>>, vector<16xf32>,
      tpu.vector_store %arg11[%swap3A_281], %broadcast_in_dim3A_3 {strides = array<i32>} : memref<528xf32, #tpu.memory_space<vmem>>, vector<16xf32>,
      %swap3A_283 = arith.constant 48 : index
      %swap3A_284 = tpu.vector_load %arg12[%swap3A_283] {strides = array<i32>} : memref<528xi32, #tpu.memory_space<vmem>>, vector<16xi32>,
      tpu.vector_store %arg12[%swap3A_283], %broadcast_in_dim3A_5 {strides = array<i32>} : memref<528xi32, #tpu.memory_space<vmem>>, vector<16xi32>,
      %swap3A_285 = arith.constant 64 : index
      %swap3A_286 = tpu.vector_load %arg11[%swap3A_285] {strides = array<i32>} : memref<528xf32, #tpu.memory_space<vmem>>, vector<16xf32>,
      tpu.vector_store %arg11[%swap3A_285], %broadcast_in_dim3A_3 {strides = array<i32>} : memref<528xf32, #tpu.memory_space<vmem>>, vector<16xf32>,
      %swap3A_287 = arith.constant 64 : index
      %swap3A_288 = tpu.vector_load %arg12[%swap3A_287] {strides = array<i32>} : memref<528xi32, #tpu.memory_space<vmem>>, vector<16xi32>,
      tpu.vector_store %arg12[%swap3A_287], %broadcast_in_dim3A_5 {strides = array<i32>} : memref<528xi32, #tpu.memory_space<vmem>>, vector<16xi32>,
      %swap3A_289 = arith.constant 80 : index
      %swap3A_290 = tpu.vector_load %arg11[%swap3A_289] {strides = array<i32>} : memref<528xf32, #tpu.memory_space<vmem>>, vector<16xf32>,
      tpu.vector_store %arg11[%swap3A_289], %broadcast_in_dim3A_3 {strides = array<i32>} : memref<528xf32, #tpu.memory_space<vmem>>, vector<16xf32>,
      %swap3A_291 = arith.constant 80 : index
      %swap3A_292 = tpu.vector_load %arg12[%swap3A_291] {strides = array<i32>} : memref<528xi32, #tpu.memory_space<vmem>>, vector<16xi32>,
      tpu.vector_store %arg12[%swap3A_291], %broadcast_in_dim3A_5 {strides = array<i32>} : memref<528xi32, #tpu.memory_space<vmem>>, vector<16xi32>,
      %swap3A_293 = arith.constant 96 : index
      %swap3A_294 = tpu.vector_load %arg11[%swap3A_293] {strides = array<i32>} : memref<528xf32, #tpu.memory_space<vmem>>, vector<16xf32>,
      tpu.vector_store %arg11[%swap3A_293], %broadcast_in_dim3A_3 {strides = array<i32>} : memref<528xf32, #tpu.memory_space<vmem>>, vector<16xf32>,
      %swap3A_295 = arith.constant 96 : index
      %swap3A_296 = tpu.vector_load %arg12[%swap3A_295] {strides = array<i32>} : memref<528xi32, #tpu.memory_space<vmem>>, vector<16xi32>,
      tpu.vector_store %arg12[%swap3A_295], %broadcast_in_dim3A_5 {strides = array<i32>} : memref<528xi32, #tpu.memory_space<vmem>>, vector<16xi32>,
      %swap3A_297 = arith.constant 112 : index
      %swap3A_298 = tpu.vector_load %arg11[%swap3A_297] {strides = array<i32>} : memref<528xf32, #tpu.memory_space<vmem>>, vector<16xf32>,
      tpu.vector_store %arg11[%swap3A_297], %broadcast_in_dim3A_3 {strides = array<i32>} : memref<528xf32, #tpu.memory_space<vmem>>, vector<16xf32>,
      %swap3A_299 = arith.constant 112 : index
      %swap3A_300 = tpu.vector_load %arg12[%swap3A_299] {strides = array<i32>} : memref<528xi32, #tpu.memory_space<vmem>>, vector<16xi32>,
      tpu.vector_store %arg12[%swap3A_299], %broadcast_in_dim3A_5 {strides = array<i32>} : memref<528xi32, #tpu.memory_space<vmem>>, vector<16xi32>,
      %swap3A_301 = arith.constant 128 : index
      %swap3A_302 = tpu.vector_load %arg11[%swap3A_301] {strides = array<i32>} : memref<528xf32, #tpu.memory_space<vmem>>, vector<16xf32>,
      tpu.vector_store %arg11[%swap3A_301], %broadcast_in_dim3A_3 {strides = array<i32>} : memref<528xf32, #tpu.memory_space<vmem>>, vector<16xf32>,
      %swap3A_303 = arith.constant 128 : index
      %swap3A_304 = tpu.vector_load %arg12[%swap3A_303] {strides = array<i32>} : memref<528xi32, #tpu.memory_space<vmem>>, vector<16xi32>,
      tpu.vector_store %arg12[%swap3A_303], %broadcast_in_dim3A_5 {strides = array<i32>} : memref<528xi32, #tpu.memory_space<vmem>>, vector<16xi32>,
      %swap3A_305 = arith.constant 144 : index
      %swap3A_306 = tpu.vector_load %arg11[%swap3A_305] {strides = array<i32>} : memref<528xf32, #tpu.memory_space<vmem>>, vector<16xf32>,
      tpu.vector_store %arg11[%swap3A_305], %broadcast_in_dim3A_3 {strides = array<i32>} : memref<528xf32, #tpu.memory_space<vmem>>, vector<16xf32>,
      %swap3A_307 = arith.constant 144 : index
      %swap3A_308 = tpu.vector_load %arg12[%swap3A_307] {strides = array<i32>} : memref<528xi32, #tpu.memory_space<vmem>>, vector<16xi32>,
      tpu.vector_store %arg12[%swap3A_307], %broadcast_in_dim3A_5 {strides = array<i32>} : memref<528xi32, #tpu.memory_space<vmem>>, vector<16xi32>,
      %swap3A_309 = arith.constant 160 : index
      %swap3A_310 = tpu.vector_load %arg11[%swap3A_309] {strides = array<i32>} : memref<528xf32, #tpu.memory_space<vmem>>, vector<16xf32>,
      tpu.vector_store %arg11[%swap3A_309], %broadcast_in_dim3A_3 {strides = array<i32>} : memref<528xf32, #tpu.memory_space<vmem>>, vector<16xf32>,
      %swap3A_311 = arith.constant 160 : index
      %swap3A_312 = tpu.vector_load %arg12[%swap3A_311] {strides = array<i32>} : memref<528xi32, #tpu.memory_space<vmem>>, vector<16xi32>,
      tpu.vector_store %arg12[%swap3A_311], %broadcast_in_dim3A_5 {strides = array<i32>} : memref<528xi32, #tpu.memory_space<vmem>>, vector<16xi32>,
      %swap3A_313 = arith.constant 176 : index
      %swap3A_314 = tpu.vector_load %arg11[%swap3A_313] {strides = array<i32>} : memref<528xf32, #tpu.memory_space<vmem>>, vector<16xf32>,
      tpu.vector_store %arg11[%swap3A_313], %broadcast_in_dim3A_3 {strides = array<i32>} : memref<528xf32, #tpu.memory_space<vmem>>, vector<16xf32>,
      %swap3A_315 = arith.constant 176 : index
      %swap3A_316 = tpu.vector_load %arg12[%swap3A_315] {strides = array<i32>} : memref<528xi32, #tpu.memory_space<vmem>>, vector<16xi32>,
      tpu.vector_store %arg12[%swap3A_315], %broadcast_in_dim3A_5 {strides = array<i32>} : memref<528xi32, #tpu.memory_space<vmem>>, vector<16xi32>,
      %swap3A_317 = arith.constant 192 : index
      %swap3A_318 = tpu.vector_load %arg11[%swap3A_317] {strides = array<i32>} : memref<528xf32, #tpu.memory_space<vmem>>, vector<16xf32>,
      tpu.vector_store %arg11[%swap3A_317], %broadcast_in_dim3A_3 {strides = array<i32>} : memref<528xf32, #tpu.memory_space<vmem>>, vector<16xf32>,
      %swap3A_319 = arith.constant 192 : index
      %swap3A_320 = tpu.vector_load %arg12[%swap3A_319] {strides = array<i32>} : memref<528xi32, #tpu.memory_space<vmem>>, vector<16xi32>,
      tpu.vector_store %arg12[%swap3A_319], %broadcast_in_dim3A_5 {strides = array<i32>} : memref<528xi32, #tpu.memory_space<vmem>>, vector<16xi32>,
      %swap3A_321 = arith.constant 208 : index
      %swap3A_322 = tpu.vector_load %arg11[%swap3A_321] {strides = array<i32>} : memref<528xf32, #tpu.memory_space<vmem>>, vector<16xf32>,
      tpu.vector_store %arg11[%swap3A_321], %broadcast_in_dim3A_3 {strides = array<i32>} : memref<528xf32, #tpu.memory_space<vmem>>, vector<16xf32>,
      %swap3A_323 = arith.constant 208 : index
      %swap3A_324 = tpu.vector_load %arg12[%swap3A_323] {strides = array<i32>} : memref<528xi32, #tpu.memory_space<vmem>>, vector<16xi32>,
      tpu.vector_store %arg12[%swap3A_323], %broadcast_in_dim3A_5 {strides = array<i32>} : memref<528xi32, #tpu.memory_space<vmem>>, vector<16xi32>,
      %swap3A_325 = arith.constant 224 : index
      %swap3A_326 = tpu.vector_load %arg11[%swap3A_325] {strides = array<i32>} : memref<528xf32, #tpu.memory_space<vmem>>, vector<16xf32>,
      tpu.vector_store %arg11[%swap3A_325], %broadcast_in_dim3A_3 {strides = array<i32>} : memref<528xf32, #tpu.memory_space<vmem>>, vector<16xf32>,
      %swap3A_327 = arith.constant 224 : index
      %swap3A_328 = tpu.vector_load %arg12[%swap3A_327] {strides = array<i32>} : memref<528xi32, #tpu.memory_space<vmem>>, vector<16xi32>,
      tpu.vector_store %arg12[%swap3A_327], %broadcast_in_dim3A_5 {strides = array<i32>} : memref<528xi32, #tpu.memory_space<vmem>>, vector<16xi32>,
      %swap3A_329 = arith.constant 240 : index
      %swap3A_330 = tpu.vector_load %arg11[%swap3A_329] {strides = array<i32>} : memref<528xf32, #tpu.memory_space<vmem>>, vector<16xf32>,
      tpu.vector_store %arg11[%swap3A_329], %broadcast_in_dim3A_3 {strides = array<i32>} : memref<528xf32, #tpu.memory_space<vmem>>, vector<16xf32>,
      %swap3A_331 = arith.constant 240 : index
      %swap3A_332 = tpu.vector_load %arg12[%swap3A_331] {strides = array<i32>} : memref<528xi32, #tpu.memory_space<vmem>>, vector<16xi32>,
      tpu.vector_store %arg12[%swap3A_331], %broadcast_in_dim3A_5 {strides = array<i32>} : memref<528xi32, #tpu.memory_space<vmem>>, vector<16xi32>,
      %swap3A_333 = arith.constant 256 : index
      %swap3A_334 = tpu.vector_load %arg11[%swap3A_333] {strides = array<i32>} : memref<528xf32, #tpu.memory_space<vmem>>, vector<16xf32>,
      tpu.vector_store %arg11[%swap3A_333], %broadcast_in_dim3A_3 {strides = array<i32>} : memref<528xf32, #tpu.memory_space<vmem>>, vector<16xf32>,
      %swap3A_335 = arith.constant 256 : index
      %swap3A_336 = tpu.vector_load %arg12[%swap3A_335] {strides = array<i32>} : memref<528xi32, #tpu.memory_space<vmem>>, vector<16xi32>,
      tpu.vector_store %arg12[%swap3A_335], %broadcast_in_dim3A_5 {strides = array<i32>} : memref<528xi32, #tpu.memory_space<vmem>>, vector<16xi32>,
      %swap3A_337 = arith.constant 272 : index
      %swap3A_338 = tpu.vector_load %arg11[%swap3A_337] {strides = array<i32>} : memref<528xf32, #tpu.memory_space<vmem>>, vector<16xf32>,
      tpu.vector_store %arg11[%swap3A_337], %broadcast_in_dim3A_3 {strides = array<i32>} : memref<528xf32, #tpu.memory_space<vmem>>, vector<16xf32>,
      %swap3A_339 = arith.constant 272 : index
      %swap3A_340 = tpu.vector_load %arg12[%swap3A_339] {strides = array<i32>} : memref<528xi32, #tpu.memory_space<vmem>>, vector<16xi32>,
      tpu.vector_store %arg12[%swap3A_339], %broadcast_in_dim3A_5 {strides = array<i32>} : memref<528xi32, #tpu.memory_space<vmem>>, vector<16xi32>,
      %swap3A_341 = arith.constant 288 : index
      %swap3A_342 = tpu.vector_load %arg11[%swap3A_341] {strides = array<i32>} : memref<528xf32, #tpu.memory_space<vmem>>, vector<16xf32>,
      tpu.vector_store %arg11[%swap3A_341], %broadcast_in_dim3A_3 {strides = array<i32>} : memref<528xf32, #tpu.memory_space<vmem>>, vector<16xf32>,
      %swap3A_343 = arith.constant 288 : index
      %swap3A_344 = tpu.vector_load %arg12[%swap3A_343] {strides = array<i32>} : memref<528xi32, #tpu.memory_space<vmem>>, vector<16xi32>,
      tpu.vector_store %arg12[%swap3A_343], %broadcast_in_dim3A_5 {strides = array<i32>} : memref<528xi32, #tpu.memory_space<vmem>>, vector<16xi32>,
      %swap3A_345 = arith.constant 304 : index
      %swap3A_346 = tpu.vector_load %arg11[%swap3A_345] {strides = array<i32>} : memref<528xf32, #tpu.memory_space<vmem>>, vector<16xf32>,
      tpu.vector_store %arg11[%swap3A_345], %broadcast_in_dim3A_3 {strides = array<i32>} : memref<528xf32, #tpu.memory_space<vmem>>, vector<16xf32>,
      %swap3A_347 = arith.constant 304 : index
      %swap3A_348 = tpu.vector_load %arg12[%swap3A_347] {strides = array<i32>} : memref<528xi32, #tpu.memory_space<vmem>>, vector<16xi32>,
      tpu.vector_store %arg12[%swap3A_347], %broadcast_in_dim3A_5 {strides = array<i32>} : memref<528xi32, #tpu.memory_space<vmem>>, vector<16xi32>,
      %swap3A_349 = arith.constant 320 : index
      %swap3A_350 = tpu.vector_load %arg11[%swap3A_349] {strides = array<i32>} : memref<528xf32, #tpu.memory_space<vmem>>, vector<16xf32>,
      tpu.vector_store %arg11[%swap3A_349], %broadcast_in_dim3A_3 {strides = array<i32>} : memref<528xf32, #tpu.memory_space<vmem>>, vector<16xf32>,
      %swap3A_351 = arith.constant 320 : index
      %swap3A_352 = tpu.vector_load %arg12[%swap3A_351] {strides = array<i32>} : memref<528xi32, #tpu.memory_space<vmem>>, vector<16xi32>,
      tpu.vector_store %arg12[%swap3A_351], %broadcast_in_dim3A_5 {strides = array<i32>} : memref<528xi32, #tpu.memory_space<vmem>>, vector<16xi32>,
      %swap3A_353 = arith.constant 336 : index
      %swap3A_354 = tpu.vector_load %arg11[%swap3A_353] {strides = array<i32>} : memref<528xf32, #tpu.memory_space<vmem>>, vector<16xf32>,
      tpu.vector_store %arg11[%swap3A_353], %broadcast_in_dim3A_3 {strides = array<i32>} : memref<528xf32, #tpu.memory_space<vmem>>, vector<16xf32>,
      %swap3A_355 = arith.constant 336 : index
      %swap3A_356 = tpu.vector_load %arg12[%swap3A_355] {strides = array<i32>} : memref<528xi32, #tpu.memory_space<vmem>>, vector<16xi32>,
      tpu.vector_store %arg12[%swap3A_355], %broadcast_in_dim3A_5 {strides = array<i32>} : memref<528xi32, #tpu.memory_space<vmem>>, vector<16xi32>,
      %swap3A_357 = arith.constant 352 : index
      %swap3A_358 = tpu.vector_load %arg11[%swap3A_357] {strides = array<i32>} : memref<528xf32, #tpu.memory_space<vmem>>, vector<16xf32>,
      tpu.vector_store %arg11[%swap3A_357], %broadcast_in_dim3A_3 {strides = array<i32>} : memref<528xf32, #tpu.memory_space<vmem>>, vector<16xf32>,
      %swap3A_359 = arith.constant 352 : index
      %swap3A_360 = tpu.vector_load %arg12[%swap3A_359] {strides = array<i32>} : memref<528xi32, #tpu.memory_space<vmem>>, vector<16xi32>,
      tpu.vector_store %arg12[%swap3A_359], %broadcast_in_dim3A_5 {strides = array<i32>} : memref<528xi32, #tpu.memory_space<vmem>>, vector<16xi32>,
      %swap3A_361 = arith.constant 368 : index
      %swap3A_362 = tpu.vector_load %arg11[%swap3A_361] {strides = array<i32>} : memref<528xf32, #tpu.memory_space<vmem>>, vector<16xf32>,
      tpu.vector_store %arg11[%swap3A_361], %broadcast_in_dim3A_3 {strides = array<i32>} : memref<528xf32, #tpu.memory_space<vmem>>, vector<16xf32>,
      %swap3A_363 = arith.constant 368 : index
      %swap3A_364 = tpu.vector_load %arg12[%swap3A_363] {strides = array<i32>} : memref<528xi32, #tpu.memory_space<vmem>>, vector<16xi32>,
      tpu.vector_store %arg12[%swap3A_363], %broadcast_in_dim3A_5 {strides = array<i32>} : memref<528xi32, #tpu.memory_space<vmem>>, vector<16xi32>,
      %swap3A_365 = arith.constant 384 : index
      %swap3A_366 = tpu.vector_load %arg11[%swap3A_365] {strides = array<i32>} : memref<528xf32, #tpu.memory_space<vmem>>, vector<16xf32>,
      tpu.vector_store %arg11[%swap3A_365], %broadcast_in_dim3A_3 {strides = array<i32>} : memref<528xf32, #tpu.memory_space<vmem>>, vector<16xf32>,
      %swap3A_367 = arith.constant 384 : index
      %swap3A_368 = tpu.vector_load %arg12[%swap3A_367] {strides = array<i32>} : memref<528xi32, #tpu.memory_space<vmem>>, vector<16xi32>,
      tpu.vector_store %arg12[%swap3A_367], %broadcast_in_dim3A_5 {strides = array<i32>} : memref<528xi32, #tpu.memory_space<vmem>>, vector<16xi32>,
      %swap3A_369 = arith.constant 400 : index
      %swap3A_370 = tpu.vector_load %arg11[%swap3A_369] {strides = array<i32>} : memref<528xf32, #tpu.memory_space<vmem>>, vector<16xf32>,
      tpu.vector_store %arg11[%swap3A_369], %broadcast_in_dim3A_3 {strides = array<i32>} : memref<528xf32, #tpu.memory_space<vmem>>, vector<16xf32>,
      %swap3A_371 = arith.constant 400 : index
      %swap3A_372 = tpu.vector_load %arg12[%swap3A_371] {strides = array<i32>} : memref<528xi32, #tpu.memory_space<vmem>>, vector<16xi32>,
      tpu.vector_store %arg12[%swap3A_371], %broadcast_in_dim3A_5 {strides = array<i32>} : memref<528xi32, #tpu.memory_space<vmem>>, vector<16xi32>,
      %swap3A_373 = arith.constant 416 : index
      %swap3A_374 = tpu.vector_load %arg11[%swap3A_373] {strides = array<i32>} : memref<528xf32, #tpu.memory_space<vmem>>, vector<16xf32>,
      tpu.vector_store %arg11[%swap3A_373], %broadcast_in_dim3A_3 {strides = array<i32>} : memref<528xf32, #tpu.memory_space<vmem>>, vector<16xf32>,
      %swap3A_375 = arith.constant 416 : index
      %swap3A_376 = tpu.vector_load %arg12[%swap3A_375] {strides = array<i32>} : memref<528xi32, #tpu.memory_space<vmem>>, vector<16xi32>,
      tpu.vector_store %arg12[%swap3A_375], %broadcast_in_dim3A_5 {strides = array<i32>} : memref<528xi32, #tpu.memory_space<vmem>>, vector<16xi32>,
      %swap3A_377 = arith.constant 432 : index
      %swap3A_378 = tpu.vector_load %arg11[%swap3A_377] {strides = array<i32>} : memref<528xf32, #tpu.memory_space<vmem>>, vector<16xf32>,
      tpu.vector_store %arg11[%swap3A_377], %broadcast_in_dim3A_3 {strides = array<i32>} : memref<528xf32, #tpu.memory_space<vmem>>, vector<16xf32>,
      %swap3A_379 = arith.constant 432 : index
      %swap3A_380 = tpu.vector_load %arg12[%swap3A_379] {strides = array<i32>} : memref<528xi32, #tpu.memory_space<vmem>>, vector<16xi32>,
      tpu.vector_store %arg12[%swap3A_379], %broadcast_in_dim3A_5 {strides = array<i32>} : memref<528xi32, #tpu.memory_space<vmem>>, vector<16xi32>,
      %swap3A_381 = arith.constant 448 : index
      %swap3A_382 = tpu.vector_load %arg11[%swap3A_381] {strides = array<i32>} : memref<528xf32, #tpu.memory_space<vmem>>, vector<16xf32>,
      tpu.vector_store %arg11[%swap3A_381], %broadcast_in_dim3A_3 {strides = array<i32>} : memref<528xf32, #tpu.memory_space<vmem>>, vector<16xf32>,
      %swap3A_383 = arith.constant 448 : index
      %swap3A_384 = tpu.vector_load %arg12[%swap3A_383] {strides = array<i32>} : memref<528xi32, #tpu.memory_space<vmem>>, vector<16xi32>,
      tpu.vector_store %arg12[%swap3A_383], %broadcast_in_dim3A_5 {strides = array<i32>} : memref<528xi32, #tpu.memory_space<vmem>>, vector<16xi32>,
      %swap3A_385 = arith.constant 464 : index
      %swap3A_386 = tpu.vector_load %arg11[%swap3A_385] {strides = array<i32>} : memref<528xf32, #tpu.memory_space<vmem>>, vector<16xf32>,
      tpu.vector_store %arg11[%swap3A_385], %broadcast_in_dim3A_3 {strides = array<i32>} : memref<528xf32, #tpu.memory_space<vmem>>, vector<16xf32>,
      %swap3A_387 = arith.constant 464 : index
      %swap3A_388 = tpu.vector_load %arg12[%swap3A_387] {strides = array<i32>} : memref<528xi32, #tpu.memory_space<vmem>>, vector<16xi32>,
      tpu.vector_store %arg12[%swap3A_387], %broadcast_in_dim3A_5 {strides = array<i32>} : memref<528xi32, #tpu.memory_space<vmem>>, vector<16xi32>,
      %swap3A_389 = arith.constant 480 : index
      %swap3A_390 = tpu.vector_load %arg11[%swap3A_389] {strides = array<i32>} : memref<528xf32, #tpu.memory_space<vmem>>, vector<16xf32>,
      tpu.vector_store %arg11[%swap3A_389], %broadcast_in_dim3A_3 {strides = array<i32>} : memref<528xf32, #tpu.memory_space<vmem>>, vector<16xf32>,
      %swap3A_391 = arith.constant 480 : index
      %swap3A_392 = tpu.vector_load %arg12[%swap3A_391] {strides = array<i32>} : memref<528xi32, #tpu.memory_space<vmem>>, vector<16xi32>,
      tpu.vector_store %arg12[%swap3A_391], %broadcast_in_dim3A_5 {strides = array<i32>} : memref<528xi32, #tpu.memory_space<vmem>>, vector<16xi32>,
      %swap3A_393 = arith.constant 496 : index
      %swap3A_394 = tpu.vector_load %arg11[%swap3A_393] {strides = array<i32>} : memref<528xf32, #tpu.memory_space<vmem>>, vector<16xf32>,
      tpu.vector_store %arg11[%swap3A_393], %broadcast_in_dim3A_3 {strides = array<i32>} : memref<528xf32, #tpu.memory_space<vmem>>, vector<16xf32>,
      %swap3A_395 = arith.constant 496 : index
      %swap3A_396 = tpu.vector_load %arg12[%swap3A_395] {strides = array<i32>} : memref<528xi32, #tpu.memory_space<vmem>>, vector<16xi32>,
      tpu.vector_store %arg12[%swap3A_395], %broadcast_in_dim3A_5 {strides = array<i32>} : memref<528xi32, #tpu.memory_space<vmem>>, vector<16xi32>,
      %scan3A_397 = arith.constant 0 : i32
      %scan3A_398 = arith.constant 0 : i32
      %scan3A_399 = arith.constant 512 : i32
      %scan3A_400 = arith.addi %scan3A_398, %scan3A_399 : i32
      %scan3A_401 = arith.constant 8 : i32
      %scan3A_402 = scf.for %scan3A_432 = %scan3A_398 to %scan3A_400 step %scan3A_401 iter_args(%scan3A_433 = %scan3A_397) -> (i32)  : i32 {
        %mul3A_434 = arith.constant 16 : i32
        %mul3A_435 = arith.muli %scan3A_432, %mul3A_434 : i32
        %get3A_436 = arith.index_cast %mul3A_435 : i32 to index
        %get3A_437 = tpu.vector_load %arg7[%get3A_436] {strides = array<i32>} : memref<8192xf32, #tpu.memory_space<vmem>>, vector<16xf32>,
        %ge3A = arith.cmpf oge, %get3A_437, %get3A_268 : vector<16xf32>
        %convert_element_type3A_438 = arith.extui %ge3A : vector<16xi1> to vector<16xi32>
        %broadcast_in_dim3A_439 = arith.constant true
        %broadcast_in_dim3A_440 = vector.broadcast %broadcast_in_dim3A_439 : i1 to vector<16xi1>
        %masked_cumsum3A = tpu.scan <sum>, %convert_element_type3A_438 masked %broadcast_in_dim3A_440 : vector<16xi32>, vector<16xi1> -> vector<16xi32>
        %add3A_441 = vector.broadcast %scan3A_433 : i32 to vector<16xi32>
        %add3A_442 = arith.addi %add3A_441, %masked_cumsum3A : vector<16xi32>
        %sub3A_443 = arith.constant 1 : i32
        %sub3A_444 = vector.broadcast %sub3A_443 : i32 to vector<16xi32>
        %sub3A_445 = arith.subi %add3A_442, %sub3A_444 : vector<16xi32>
        %min3A = arith.minsi %sub3A_445, %broadcast_in_dim3A_7 : vector<16xi32>
        tpu.vector_store_idx %arg11[%min3A], %get3A_437 masked %ge3A : memref<528xf32, #tpu.memory_space<vmem>>[vector<16xi32>], vector<16xf32>, vector<16xi1>
        %mul3A_446 = arith.constant 16 : i32
        %mul3A_447 = arith.muli %scan3A_432, %mul3A_446 : i32
        %add3A_448 = vector.broadcast %mul3A_447 : i32 to vector<16xi32>
        %add3A_449 = arith.addi %iota3A, %add3A_448 : vector<16xi32>
        tpu.vector_store_idx %arg12[%min3A], %add3A_449 masked %ge3A : memref<528xi32, #tpu.memory_space<vmem>>[vector<16xi32>], vector<16xi32>, vector<16xi1>
        %all_reduce_population_count3A = tpu.all_reduce %ge3A {dim = 0 : i64, kind = #tpu.reduction_kind<sum>} : vector<16xi1> -> vector<16xi32>
        %slice3A = vector.extract_strided_slice %all_reduce_population_count3A {offsets = [0], sizes = [1], strides = [1]} : vector<16xi32> to vector<1xi32>
        %squeeze3A = vector.extract %slice3A[0] : i32 from vector<1xi32>
        %add3A_450 = arith.addi %scan3A_433, %squeeze3A : i32
        %scan3A_451 = arith.constant 1 : i32
        %scan3A_452 = arith.addi %scan3A_432, %scan3A_451 : i32
        %mul3A_453 = arith.constant 16 : i32
        %mul3A_454 = arith.muli %scan3A_452, %mul3A_453 : i32
        %get3A_455 = arith.index_cast %mul3A_454 : i32 to index
        %get3A_456 = tpu.vector_load %arg7[%get3A_455] {strides = array<i32>} : memref<8192xf32, #tpu.memory_space<vmem>>, vector<16xf32>,
        %ge3A_457 = arith.cmpf oge, %get3A_456, %get3A_268 : vector<16xf32>
        %convert_element_type3A_458 = arith.extui %ge3A_457 : vector<16xi1> to vector<16xi32>
        %broadcast_in_dim3A_459 = arith.constant true
        %broadcast_in_dim3A_460 = vector.broadcast %broadcast_in_dim3A_459 : i1 to vector<16xi1>
        %masked_cumsum3A_461 = tpu.scan <sum>, %convert_element_type3A_458 masked %broadcast_in_dim3A_460 : vector<16xi32>, vector<16xi1> -> vector<16xi32>
        %add3A_462 = vector.broadcast %add3A_450 : i32 to vector<16xi32>
        %add3A_463 = arith.addi %add3A_462, %masked_cumsum3A_461 : vector<16xi32>
        %sub3A_464 = arith.constant 1 : i32
        %sub3A_465 = vector.broadcast %sub3A_464 : i32 to vector<16xi32>
        %sub3A_466 = arith.subi %add3A_463, %sub3A_465 : vector<16xi32>
        %min3A_467 = arith.minsi %sub3A_466, %broadcast_in_dim3A_7 : vector<16xi32>
        tpu.vector_store_idx %arg11[%min3A_467], %get3A_456 masked %ge3A_457 : memref<528xf32, #tpu.memory_space<vmem>>[vector<16xi32>], vector<16xf32>, vector<16xi1>
        %mul3A_468 = arith.constant 16 : i32
        %mul3A_469 = arith.muli %scan3A_452, %mul3A_468 : i32
        %add3A_470 = vector.broadcast %mul3A_469 : i32 to vector<16xi32>
        %add3A_471 = arith.addi %iota3A, %add3A_470 : vector<16xi32>
        tpu.vector_store_idx %arg12[%min3A_467], %add3A_471 masked %ge3A_457 : memref<528xi32, #tpu.memory_space<vmem>>[vector<16xi32>], vector<16xi32>, vector<16xi1>
        %all_reduce_population_count3A_472 = tpu.all_reduce %ge3A_457 {dim = 0 : i64, kind = #tpu.reduction_kind<sum>} : vector<16xi1> -> vector<16xi32>
        %slice3A_473 = vector.extract_strided_slice %all_reduce_population_count3A_472 {offsets = [0], sizes = [1], strides = [1]} : vector<16xi32> to vector<1xi32>
        %squeeze3A_474 = vector.extract %slice3A_473[0] : i32 from vector<1xi32>
        %add3A_475 = arith.addi %add3A_450, %squeeze3A_474 : i32
        %scan3A_476 = arith.constant 2 : i32
        %scan3A_477 = arith.addi %scan3A_432, %scan3A_476 : i32
        %mul3A_478 = arith.constant 16 : i32
        %mul3A_479 = arith.muli %scan3A_477, %mul3A_478 : i32
        %get3A_480 = arith.index_cast %mul3A_479 : i32 to index
        %get3A_481 = tpu.vector_load %arg7[%get3A_480] {strides = array<i32>} : memref<8192xf32, #tpu.memory_space<vmem>>, vector<16xf32>,
        %ge3A_482 = arith.cmpf oge, %get3A_481, %get3A_268 : vector<16xf32>
        %convert_element_type3A_483 = arith.extui %ge3A_482 : vector<16xi1> to vector<16xi32>
        %broadcast_in_dim3A_484 = arith.constant true
        %broadcast_in_dim3A_485 = vector.broadcast %broadcast_in_dim3A_484 : i1 to vector<16xi1>
        %masked_cumsum3A_486 = tpu.scan <sum>, %convert_element_type3A_483 masked %broadcast_in_dim3A_485 : vector<16xi32>, vector<16xi1> -> vector<16xi32>
        %add3A_487 = vector.broadcast %add3A_475 : i32 to vector<16xi32>
        %add3A_488 = arith.addi %add3A_487, %masked_cumsum3A_486 : vector<16xi32>
        %sub3A_489 = arith.constant 1 : i32
        %sub3A_490 = vector.broadcast %sub3A_489 : i32 to vector<16xi32>
        %sub3A_491 = arith.subi %add3A_488, %sub3A_490 : vector<16xi32>
        %min3A_492 = arith.minsi %sub3A_491, %broadcast_in_dim3A_7 : vector<16xi32>
        tpu.vector_store_idx %arg11[%min3A_492], %get3A_481 masked %ge3A_482 : memref<528xf32, #tpu.memory_space<vmem>>[vector<16xi32>], vector<16xf32>, vector<16xi1>
        %mul3A_493 = arith.constant 16 : i32
        %mul3A_494 = arith.muli %scan3A_477, %mul3A_493 : i32
        %add3A_495 = vector.broadcast %mul3A_494 : i32 to vector<16xi32>
        %add3A_496 = arith.addi %iota3A, %add3A_495 : vector<16xi32>
        tpu.vector_store_idx %arg12[%min3A_492], %add3A_496 masked %ge3A_482 : memref<528xi32, #tpu.memory_space<vmem>>[vector<16xi32>], vector<16xi32>, vector<16xi1>
        %all_reduce_population_count3A_497 = tpu.all_reduce %ge3A_482 {dim = 0 : i64, kind = #tpu.reduction_kind<sum>} : vector<16xi1> -> vector<16xi32>
        %slice3A_498 = vector.extract_strided_slice %all_reduce_population_count3A_497 {offsets = [0], sizes = [1], strides = [1]} : vector<16xi32> to vector<1xi32>
        %squeeze3A_499 = vector.extract %slice3A_498[0] : i32 from vector<1xi32>
        %add3A_500 = arith.addi %add3A_475, %squeeze3A_499 : i32
        %scan3A_501 = arith.constant 3 : i32
        %scan3A_502 = arith.addi %scan3A_432, %scan3A_501 : i32
        %mul3A_503 = arith.constant 16 : i32
        %mul3A_504 = arith.muli %scan3A_502, %mul3A_503 : i32
        %get3A_505 = arith.index_cast %mul3A_504 : i32 to index
        %get3A_506 = tpu.vector_load %arg7[%get3A_505] {strides = array<i32>} : memref<8192xf32, #tpu.memory_space<vmem>>, vector<16xf32>,
        %ge3A_507 = arith.cmpf oge, %get3A_506, %get3A_268 : vector<16xf32>
        %convert_element_type3A_508 = arith.extui %ge3A_507 : vector<16xi1> to vector<16xi32>
        %broadcast_in_dim3A_509 = arith.constant true
        %broadcast_in_dim3A_510 = vector.broadcast %broadcast_in_dim3A_509 : i1 to vector<16xi1>
        %masked_cumsum3A_511 = tpu.scan <sum>, %convert_element_type3A_508 masked %broadcast_in_dim3A_510 : vector<16xi32>, vector<16xi1> -> vector<16xi32>
        %add3A_512 = vector.broadcast %add3A_500 : i32 to vector<16xi32>
        %add3A_513 = arith.addi %add3A_512, %masked_cumsum3A_511 : vector<16xi32>
        %sub3A_514 = arith.constant 1 : i32
        %sub3A_515 = vector.broadcast %sub3A_514 : i32 to vector<16xi32>
        %sub3A_516 = arith.subi %add3A_513, %sub3A_515 : vector<16xi32>
        %min3A_517 = arith.minsi %sub3A_516, %broadcast_in_dim3A_7 : vector<16xi32>
        tpu.vector_store_idx %arg11[%min3A_517], %get3A_506 masked %ge3A_507 : memref<528xf32, #tpu.memory_space<vmem>>[vector<16xi32>], vector<16xf32>, vector<16xi1>
        %mul3A_518 = arith.constant 16 : i32
        %mul3A_519 = arith.muli %scan3A_502, %mul3A_518 : i32
        %add3A_520 = vector.broadcast %mul3A_519 : i32 to vector<16xi32>
        %add3A_521 = arith.addi %iota3A, %add3A_520 : vector<16xi32>
        tpu.vector_store_idx %arg12[%min3A_517], %add3A_521 masked %ge3A_507 : memref<528xi32, #tpu.memory_space<vmem>>[vector<16xi32>], vector<16xi32>, vector<16xi1>
        %all_reduce_population_count3A_522 = tpu.all_reduce %ge3A_507 {dim = 0 : i64, kind = #tpu.reduction_kind<sum>} : vector<16xi1> -> vector<16xi32>
        %slice3A_523 = vector.extract_strided_slice %all_reduce_population_count3A_522 {offsets = [0], sizes = [1], strides = [1]} : vector<16xi32> to vector<1xi32>
        %squeeze3A_524 = vector.extract %slice3A_523[0] : i32 from vector<1xi32>
        %add3A_525 = arith.addi %add3A_500, %squeeze3A_524 : i32
        %scan3A_526 = arith.constant 4 : i32
        %scan3A_527 = arith.addi %scan3A_432, %scan3A_526 : i32
        %mul3A_528 = arith.constant 16 : i32
        %mul3A_529 = arith.muli %scan3A_527, %mul3A_528 : i32
        %get3A_530 = arith.index_cast %mul3A_529 : i32 to index
        %get3A_531 = tpu.vector_load %arg7[%get3A_530] {strides = array<i32>} : memref<8192xf32, #tpu.memory_space<vmem>>, vector<16xf32>,
        %ge3A_532 = arith.cmpf oge, %get3A_531, %get3A_268 : vector<16xf32>
        %convert_element_type3A_533 = arith.extui %ge3A_532 : vector<16xi1> to vector<16xi32>
        %broadcast_in_dim3A_534 = arith.constant true
        %broadcast_in_dim3A_535 = vector.broadcast %broadcast_in_dim3A_534 : i1 to vector<16xi1>
        %masked_cumsum3A_536 = tpu.scan <sum>, %convert_element_type3A_533 masked %broadcast_in_dim3A_535 : vector<16xi32>, vector<16xi1> -> vector<16xi32>
        %add3A_537 = vector.broadcast %add3A_525 : i32 to vector<16xi32>
        %add3A_538 = arith.addi %add3A_537, %masked_cumsum3A_536 : vector<16xi32>
        %sub3A_539 = arith.constant 1 : i32
        %sub3A_540 = vector.broadcast %sub3A_539 : i32 to vector<16xi32>
        %sub3A_541 = arith.subi %add3A_538, %sub3A_540 : vector<16xi32>
        %min3A_542 = arith.minsi %sub3A_541, %broadcast_in_dim3A_7 : vector<16xi32>
        tpu.vector_store_idx %arg11[%min3A_542], %get3A_531 masked %ge3A_532 : memref<528xf32, #tpu.memory_space<vmem>>[vector<16xi32>], vector<16xf32>, vector<16xi1>
        %mul3A_543 = arith.constant 16 : i32
        %mul3A_544 = arith.muli %scan3A_527, %mul3A_543 : i32
        %add3A_545 = vector.broadcast %mul3A_544 : i32 to vector<16xi32>
        %add3A_546 = arith.addi %iota3A, %add3A_545 : vector<16xi32>
        tpu.vector_store_idx %arg12[%min3A_542], %add3A_546 masked %ge3A_532 : memref<528xi32, #tpu.memory_space<vmem>>[vector<16xi32>], vector<16xi32>, vector<16xi1>
        %all_reduce_population_count3A_547 = tpu.all_reduce %ge3A_532 {dim = 0 : i64, kind = #tpu.reduction_kind<sum>} : vector<16xi1> -> vector<16xi32>
        %slice3A_548 = vector.extract_strided_slice %all_reduce_population_count3A_547 {offsets = [0], sizes = [1], strides = [1]} : vector<16xi32> to vector<1xi32>
        %squeeze3A_549 = vector.extract %slice3A_548[0] : i32 from vector<1xi32>
        %add3A_550 = arith.addi %add3A_525, %squeeze3A_549 : i32
        %scan3A_551 = arith.constant 5 : i32
        %scan3A_552 = arith.addi %scan3A_432, %scan3A_551 : i32
        %mul3A_553 = arith.constant 16 : i32
        %mul3A_554 = arith.muli %scan3A_552, %mul3A_553 : i32
        %get3A_555 = arith.index_cast %mul3A_554 : i32 to index
        %get3A_556 = tpu.vector_load %arg7[%get3A_555] {strides = array<i32>} : memref<8192xf32, #tpu.memory_space<vmem>>, vector<16xf32>,
        %ge3A_557 = arith.cmpf oge, %get3A_556, %get3A_268 : vector<16xf32>
        %convert_element_type3A_558 = arith.extui %ge3A_557 : vector<16xi1> to vector<16xi32>
        %broadcast_in_dim3A_559 = arith.constant true
        %broadcast_in_dim3A_560 = vector.broadcast %broadcast_in_dim3A_559 : i1 to vector<16xi1>
        %masked_cumsum3A_561 = tpu.scan <sum>, %convert_element_type3A_558 masked %broadcast_in_dim3A_560 : vector<16xi32>, vector<16xi1> -> vector<16xi32>
        %add3A_562 = vector.broadcast %add3A_550 : i32 to vector<16xi32>
        %add3A_563 = arith.addi %add3A_562, %masked_cumsum3A_561 : vector<16xi32>
        %sub3A_564 = arith.constant 1 : i32
        %sub3A_565 = vector.broadcast %sub3A_564 : i32 to vector<16xi32>
        %sub3A_566 = arith.subi %add3A_563, %sub3A_565 : vector<16xi32>
        %min3A_567 = arith.minsi %sub3A_566, %broadcast_in_dim3A_7 : vector<16xi32>
        tpu.vector_store_idx %arg11[%min3A_567], %get3A_556 masked %ge3A_557 : memref<528xf32, #tpu.memory_space<vmem>>[vector<16xi32>], vector<16xf32>, vector<16xi1>
        %mul3A_568 = arith.constant 16 : i32
        %mul3A_569 = arith.muli %scan3A_552, %mul3A_568 : i32
        %add3A_570 = vector.broadcast %mul3A_569 : i32 to vector<16xi32>
        %add3A_571 = arith.addi %iota3A, %add3A_570 : vector<16xi32>
        tpu.vector_store_idx %arg12[%min3A_567], %add3A_571 masked %ge3A_557 : memref<528xi32, #tpu.memory_space<vmem>>[vector<16xi32>], vector<16xi32>, vector<16xi1>
        %all_reduce_population_count3A_572 = tpu.all_reduce %ge3A_557 {dim = 0 : i64, kind = #tpu.reduction_kind<sum>} : vector<16xi1> -> vector<16xi32>
        %slice3A_573 = vector.extract_strided_slice %all_reduce_population_count3A_572 {offsets = [0], sizes = [1], strides = [1]} : vector<16xi32> to vector<1xi32>
        %squeeze3A_574 = vector.extract %slice3A_573[0] : i32 from vector<1xi32>
        %add3A_575 = arith.addi %add3A_550, %squeeze3A_574 : i32
        %scan3A_576 = arith.constant 6 : i32
        %scan3A_577 = arith.addi %scan3A_432, %scan3A_576 : i32
        %mul3A_578 = arith.constant 16 : i32
        %mul3A_579 = arith.muli %scan3A_577, %mul3A_578 : i32
        %get3A_580 = arith.index_cast %mul3A_579 : i32 to index
        %get3A_581 = tpu.vector_load %arg7[%get3A_580] {strides = array<i32>} : memref<8192xf32, #tpu.memory_space<vmem>>, vector<16xf32>,
        %ge3A_582 = arith.cmpf oge, %get3A_581, %get3A_268 : vector<16xf32>
        %convert_element_type3A_583 = arith.extui %ge3A_582 : vector<16xi1> to vector<16xi32>
        %broadcast_in_dim3A_584 = arith.constant true
        %broadcast_in_dim3A_585 = vector.broadcast %broadcast_in_dim3A_584 : i1 to vector<16xi1>
        %masked_cumsum3A_586 = tpu.scan <sum>, %convert_element_type3A_583 masked %broadcast_in_dim3A_585 : vector<16xi32>, vector<16xi1> -> vector<16xi32>
        %add3A_587 = vector.broadcast %add3A_575 : i32 to vector<16xi32>
        %add3A_588 = arith.addi %add3A_587, %masked_cumsum3A_586 : vector<16xi32>
        %sub3A_589 = arith.constant 1 : i32
        %sub3A_590 = vector.broadcast %sub3A_589 : i32 to vector<16xi32>
        %sub3A_591 = arith.subi %add3A_588, %sub3A_590 : vector<16xi32>
        %min3A_592 = arith.minsi %sub3A_591, %broadcast_in_dim3A_7 : vector<16xi32>
        tpu.vector_store_idx %arg11[%min3A_592], %get3A_581 masked %ge3A_582 : memref<528xf32, #tpu.memory_space<vmem>>[vector<16xi32>], vector<16xf32>, vector<16xi1>
        %mul3A_593 = arith.constant 16 : i32
        %mul3A_594 = arith.muli %scan3A_577, %mul3A_593 : i32
        %add3A_595 = vector.broadcast %mul3A_594 : i32 to vector<16xi32>
        %add3A_596 = arith.addi %iota3A, %add3A_595 : vector<16xi32>
        tpu.vector_store_idx %arg12[%min3A_592], %add3A_596 masked %ge3A_582 : memref<528xi32, #tpu.memory_space<vmem>>[vector<16xi32>], vector<16xi32>, vector<16xi1>
        %all_reduce_population_count3A_597 = tpu.all_reduce %ge3A_582 {dim = 0 : i64, kind = #tpu.reduction_kind<sum>} : vector<16xi1> -> vector<16xi32>
        %slice3A_598 = vector.extract_strided_slice %all_reduce_population_count3A_597 {offsets = [0], sizes = [1], strides = [1]} : vector<16xi32> to vector<1xi32>
        %squeeze3A_599 = vector.extract %slice3A_598[0] : i32 from vector<1xi32>
        %add3A_600 = arith.addi %add3A_575, %squeeze3A_599 : i32
        %scan3A_601 = arith.constant 7 : i32
        %scan3A_602 = arith.addi %scan3A_432, %scan3A_601 : i32
        %mul3A_603 = arith.constant 16 : i32
        %mul3A_604 = arith.muli %scan3A_602, %mul3A_603 : i32
        %get3A_605 = arith.index_cast %mul3A_604 : i32 to index
        %get3A_606 = tpu.vector_load %arg7[%get3A_605] {strides = array<i32>} : memref<8192xf32, #tpu.memory_space<vmem>>, vector<16xf32>,
        %ge3A_607 = arith.cmpf oge, %get3A_606, %get3A_268 : vector<16xf32>
        %convert_element_type3A_608 = arith.extui %ge3A_607 : vector<16xi1> to vector<16xi32>
        %broadcast_in_dim3A_609 = arith.constant true
        %broadcast_in_dim3A_610 = vector.broadcast %broadcast_in_dim3A_609 : i1 to vector<16xi1>
        %masked_cumsum3A_611 = tpu.scan <sum>, %convert_element_type3A_608 masked %broadcast_in_dim3A_610 : vector<16xi32>, vector<16xi1> -> vector<16xi32>
        %add3A_612 = vector.broadcast %add3A_600 : i32 to vector<16xi32>
        %add3A_613 = arith.addi %add3A_612, %masked_cumsum3A_611 : vector<16xi32>
        %sub3A_614 = arith.constant 1 : i32
        %sub3A_615 = vector.broadcast %sub3A_614 : i32 to vector<16xi32>
        %sub3A_616 = arith.subi %add3A_613, %sub3A_615 : vector<16xi32>
        %min3A_617 = arith.minsi %sub3A_616, %broadcast_in_dim3A_7 : vector<16xi32>
        tpu.vector_store_idx %arg11[%min3A_617], %get3A_606 masked %ge3A_607 : memref<528xf32, #tpu.memory_space<vmem>>[vector<16xi32>], vector<16xf32>, vector<16xi1>
        %mul3A_618 = arith.constant 16 : i32
        %mul3A_619 = arith.muli %scan3A_602, %mul3A_618 : i32
        %add3A_620 = vector.broadcast %mul3A_619 : i32 to vector<16xi32>
        %add3A_621 = arith.addi %iota3A, %add3A_620 : vector<16xi32>
        tpu.vector_store_idx %arg12[%min3A_617], %add3A_621 masked %ge3A_607 : memref<528xi32, #tpu.memory_space<vmem>>[vector<16xi32>], vector<16xi32>, vector<16xi1>
        %all_reduce_population_count3A_622 = tpu.all_reduce %ge3A_607 {dim = 0 : i64, kind = #tpu.reduction_kind<sum>} : vector<16xi1> -> vector<16xi32>
        %slice3A_623 = vector.extract_strided_slice %all_reduce_population_count3A_622 {offsets = [0], sizes = [1], strides = [1]} : vector<16xi32> to vector<1xi32>
        %squeeze3A_624 = vector.extract %slice3A_623[0] : i32 from vector<1xi32>
        %add3A_625 = arith.addi %add3A_600, %squeeze3A_624 : i32
        scf.yield %add3A_625 : i32
      }
      %scan3A_403 = arith.constant 512 : i32
      %lt3A_404 = arith.constant 63 : i32
      %lt3A_405 = arith.cmpi slt, %scan3A_75, %lt3A_404 : i32
      %convert_element_type3A_406 = arith.extui %lt3A_405 : i1 to i32
      %cond3A_407 = arith.constant 0 : i32
      %cond3A_408 = arith.cmpi ne, %convert_element_type3A_406, %cond3A_407 : i32
      scf.if %cond3A_408 {
        %add3A_432 = arith.addi %mul3A_2, %add3A_253 : i32
        %add3A_433 = arith.constant 2 : i32
        %add3A_434 = arith.addi %add3A_432, %add3A_433 : i32
        %dma_start3A_435 = arith.constant 0 : i32
        %dma_start3A_436 = tpu.memref_slice %arg2[%add3A_434, %dma_start3A_435] : memref<4096x8192xf32, #tpu.memory_space<hbm>> -> memref<1x8192xf32, #tpu.memory_space<hbm>>
        %dma_start3A_437 = tpu.memref_squeeze %dma_start3A_436 : memref<1x8192xf32, #tpu.memory_space<hbm>> -> memref<8192xf32, #tpu.memory_space<hbm>>
        %dma_start3A_438 = arith.constant 0 : i32
        %dma_start3A_439 = tpu.memref_slice %arg2[%add3A_434, %dma_start3A_438] : memref<4096x8192xf32, #tpu.memory_space<hbm>> -> memref<1x8192xf32, #tpu.memory_space<hbm>>
        %dma_start3A_440 = tpu.memref_squeeze %dma_start3A_439 : memref<1x8192xf32, #tpu.memory_space<hbm>> -> memref<8192xf32, #tpu.memory_space<hbm>>
        tpu.enqueue_dma source(%dma_start3A_440 : memref<8192xf32, #tpu.memory_space<hbm>>) target(%arg7 : memref<8192xf32, #tpu.memory_space<vmem>>) target_semaphore(%arg14 : memref<!tpu.dma_semaphore, #tpu.memory_space<semaphore_mem>>)
      } else {
      }
      %add3A_409 = arith.addi %mul3A_2, %add3A_253 : i32
      %dma_start3A_410 = arith.constant 0 : i32
      %dma_start3A_411 = tpu.memref_slice %arg11[%dma_start3A_410] : memref<528xf32, #tpu.memory_space<vmem>> -> memref<512xf32, #tpu.memory_space<vmem>>
      %dma_start3A_412 = arith.constant 0 : i32
      %dma_start3A_413 = tpu.memref_slice %arg4[%add3A_409, %dma_start3A_412] : memref<4096x512xf32, #tpu.memory_space<hbm>> -> memref<1x512xf32, #tpu.memory_space<hbm>>
      %dma_start3A_414 = tpu.memref_squeeze %dma_start3A_413 : memref<1x512xf32, #tpu.memory_space<hbm>> -> memref<512xf32, #tpu.memory_space<hbm>>
      %dma_start3A_415 = arith.constant 0 : i32
      %dma_start3A_416 = tpu.memref_slice %arg4[%add3A_409, %dma_start3A_415] : memref<4096x512xf32, #tpu.memory_space<hbm>> -> memref<1x512xf32, #tpu.memory_space<hbm>>
      %dma_start3A_417 = tpu.memref_squeeze %dma_start3A_416 : memref<1x512xf32, #tpu.memory_space<hbm>> -> memref<512xf32, #tpu.memory_space<hbm>>
      %dma_start3A_418 = arith.constant 0 : i32
      %dma_start3A_419 = tpu.memref_slice %arg11[%dma_start3A_418] : memref<528xf32, #tpu.memory_space<vmem>> -> memref<512xf32, #tpu.memory_space<vmem>>
      tpu.enqueue_dma source(%dma_start3A_419 : memref<512xf32, #tpu.memory_space<vmem>>) target(%dma_start3A_417 : memref<512xf32, #tpu.memory_space<hbm>>) target_semaphore(%arg16 : memref<!tpu.dma_semaphore, #tpu.memory_space<semaphore_mem>>)
      %add3A_420 = arith.addi %mul3A_2, %add3A_253 : i32
      %dma_start3A_421 = arith.constant 0 : i32
      %dma_start3A_422 = tpu.memref_slice %arg12[%dma_start3A_421] : memref<528xi32, #tpu.memory_space<vmem>> -> memref<512xi32, #tpu.memory_space<vmem>>
      %dma_start3A_423 = arith.constant 0 : i32
      %dma_start3A_424 = tpu.memref_slice %arg5[%add3A_420, %dma_start3A_423] : memref<4096x512xi32, #tpu.memory_space<hbm>> -> memref<1x512xi32, #tpu.memory_space<hbm>>
      %dma_start3A_425 = tpu.memref_squeeze %dma_start3A_424 : memref<1x512xi32, #tpu.memory_space<hbm>> -> memref<512xi32, #tpu.memory_space<hbm>>
      %dma_start3A_426 = arith.constant 0 : i32
      %dma_start3A_427 = tpu.memref_slice %arg5[%add3A_420, %dma_start3A_426] : memref<4096x512xi32, #tpu.memory_space<hbm>> -> memref<1x512xi32, #tpu.memory_space<hbm>>
      %dma_start3A_428 = tpu.memref_squeeze %dma_start3A_427 : memref<1x512xi32, #tpu.memory_space<hbm>> -> memref<512xi32, #tpu.memory_space<hbm>>
      %dma_start3A_429 = arith.constant 0 : i32
      %dma_start3A_430 = tpu.memref_slice %arg12[%dma_start3A_429] : memref<528xi32, #tpu.memory_space<vmem>> -> memref<512xi32, #tpu.memory_space<vmem>>
      tpu.enqueue_dma source(%dma_start3A_430 : memref<512xi32, #tpu.memory_space<vmem>>) target(%dma_start3A_428 : memref<512xi32, #tpu.memory_space<hbm>>) target_semaphore(%arg16 : memref<!tpu.dma_semaphore, #tpu.memory_space<semaphore_mem>>)
      %scan3A_431 = arith.constant 0 : i32
      scf.yield %scan3A_431 : i32
    }
    %scan3A_26 = arith.constant 64 : i32
    %add3A_27 = arith.constant 128 : i32
    %add3A_28 = arith.addi %mul3A_2, %add3A_27 : i32
    %sub3A = arith.constant 2 : i32
    %sub3A_29 = arith.subi %add3A_28, %sub3A : i32
    %dma_wait3A = arith.constant 0 : i32
    %dma_wait3A_30 = tpu.memref_slice %arg9[%dma_wait3A] : memref<528xf32, #tpu.memory_space<vmem>> -> memref<512xf32, #tpu.memory_space<vmem>>
    %dma_wait3A_31 = arith.constant 0 : i32
    %dma_wait3A_32 = tpu.memref_slice %arg4[%sub3A_29, %dma_wait3A_31] : memref<4096x512xf32, #tpu.memory_space<hbm>> -> memref<1x512xf32, #tpu.memory_space<hbm>>
    %dma_wait3A_33 = tpu.memref_squeeze %dma_wait3A_32 : memref<1x512xf32, #tpu.memory_space<hbm>> -> memref<512xf32, #tpu.memory_space<hbm>>
    %dma_wait3A_34 = arith.constant 0 : i32
    %dma_wait3A_35 = tpu.memref_slice %arg4[%sub3A_29, %dma_wait3A_34] : memref<4096x512xf32, #tpu.memory_space<hbm>> -> memref<1x512xf32, #tpu.memory_space<hbm>>
    %dma_wait3A_36 = tpu.memref_squeeze %dma_wait3A_35 : memref<1x512xf32, #tpu.memory_space<hbm>> -> memref<512xf32, #tpu.memory_space<hbm>>
    %dma_wait3A_37 = arith.constant 0 : i32
    %dma_wait3A_38 = tpu.memref_slice %arg9[%dma_wait3A_37] : memref<528xf32, #tpu.memory_space<vmem>> -> memref<512xf32, #tpu.memory_space<vmem>>
    tpu.wait_dma2 semaphore(%arg15 : memref<!tpu.dma_semaphore, #tpu.memory_space<semaphore_mem>>) src(%dma_wait3A_38 : memref<512xf32, #tpu.memory_space<vmem>>) dst(%dma_wait3A_36 : memref<512xf32, #tpu.memory_space<hbm>>)
    %sub3A_39 = arith.constant 2 : i32
    %sub3A_40 = arith.subi %add3A_28, %sub3A_39 : i32
    %dma_wait3A_41 = arith.constant 0 : i32
    %dma_wait3A_42 = tpu.memref_slice %arg10[%dma_wait3A_41] : memref<528xi32, #tpu.memory_space<vmem>> -> memref<512xi32, #tpu.memory_space<vmem>>
    %dma_wait3A_43 = arith.constant 0 : i32
    %dma_wait3A_44 = tpu.memref_slice %arg5[%sub3A_40, %dma_wait3A_43] : memref<4096x512xi32, #tpu.memory_space<hbm>> -> memref<1x512xi32, #tpu.memory_space<hbm>>
    %dma_wait3A_45 = tpu.memref_squeeze %dma_wait3A_44 : memref<1x512xi32, #tpu.memory_space<hbm>> -> memref<512xi32, #tpu.memory_space<hbm>>
    %dma_wait3A_46 = arith.constant 0 : i32
    %dma_wait3A_47 = tpu.memref_slice %arg5[%sub3A_40, %dma_wait3A_46] : memref<4096x512xi32, #tpu.memory_space<hbm>> -> memref<1x512xi32, #tpu.memory_space<hbm>>
    %dma_wait3A_48 = tpu.memref_squeeze %dma_wait3A_47 : memref<1x512xi32, #tpu.memory_space<hbm>> -> memref<512xi32, #tpu.memory_space<hbm>>
    %dma_wait3A_49 = arith.constant 0 : i32
    %dma_wait3A_50 = tpu.memref_slice %arg10[%dma_wait3A_49] : memref<528xi32, #tpu.memory_space<vmem>> -> memref<512xi32, #tpu.memory_space<vmem>>
    tpu.wait_dma2 semaphore(%arg15 : memref<!tpu.dma_semaphore, #tpu.memory_space<semaphore_mem>>) src(%dma_wait3A_50 : memref<512xi32, #tpu.memory_space<vmem>>) dst(%dma_wait3A_48 : memref<512xi32, #tpu.memory_space<hbm>>)
    %sub3A_51 = arith.constant 1 : i32
    %sub3A_52 = arith.subi %add3A_28, %sub3A_51 : i32
    %dma_wait3A_53 = arith.constant 0 : i32
    %dma_wait3A_54 = tpu.memref_slice %arg11[%dma_wait3A_53] : memref<528xf32, #tpu.memory_space<vmem>> -> memref<512xf32, #tpu.memory_space<vmem>>
    %dma_wait3A_55 = arith.constant 0 : i32
    %dma_wait3A_56 = tpu.memref_slice %arg4[%sub3A_52, %dma_wait3A_55] : memref<4096x512xf32, #tpu.memory_space<hbm>> -> memref<1x512xf32, #tpu.memory_space<hbm>>
    %dma_wait3A_57 = tpu.memref_squeeze %dma_wait3A_56 : memref<1x512xf32, #tpu.memory_space<hbm>> -> memref<512xf32, #tpu.memory_space<hbm>>
    %dma_wait3A_58 = arith.constant 0 : i32
    %dma_wait3A_59 = tpu.memref_slice %arg4[%sub3A_52, %dma_wait3A_58] : memref<4096x512xf32, #tpu.memory_space<hbm>> -> memref<1x512xf32, #tpu.memory_space<hbm>>
    %dma_wait3A_60 = tpu.memref_squeeze %dma_wait3A_59 : memref<1x512xf32, #tpu.memory_space<hbm>> -> memref<512xf32, #tpu.memory_space<hbm>>
    %dma_wait3A_61 = arith.constant 0 : i32
    %dma_wait3A_62 = tpu.memref_slice %arg11[%dma_wait3A_61] : memref<528xf32, #tpu.memory_space<vmem>> -> memref<512xf32, #tpu.memory_space<vmem>>
    tpu.wait_dma2 semaphore(%arg16 : memref<!tpu.dma_semaphore, #tpu.memory_space<semaphore_mem>>) src(%dma_wait3A_62 : memref<512xf32, #tpu.memory_space<vmem>>) dst(%dma_wait3A_60 : memref<512xf32, #tpu.memory_space<hbm>>)
    %sub3A_63 = arith.constant 1 : i32
    %sub3A_64 = arith.subi %add3A_28, %sub3A_63 : i32
    %dma_wait3A_65 = arith.constant 0 : i32
    %dma_wait3A_66 = tpu.memref_slice %arg12[%dma_wait3A_65] : memref<528xi32, #tpu.memory_space<vmem>> -> memref<512xi32, #tpu.memory_space<vmem>>
    %dma_wait3A_67 = arith.constant 0 : i32
    %dma_wait3A_68 = tpu.memref_slice %arg5[%sub3A_64, %dma_wait3A_67] : memref<4096x512xi32, #tpu.memory_space<hbm>> -> memref<1x512xi32, #tpu.memory_space<hbm>>
    %dma_wait3A_69 = tpu.memref_squeeze %dma_wait3A_68 : memref<1x512xi32, #tpu.memory_space<hbm>> -> memref<512xi32, #tpu.memory_space<hbm>>
    %dma_wait3A_70 = arith.constant 0 : i32
    %dma_wait3A_71 = tpu.memref_slice %arg5[%sub3A_64, %dma_wait3A_70] : memref<4096x512xi32, #tpu.memory_space<hbm>> -> memref<1x512xi32, #tpu.memory_space<hbm>>
    %dma_wait3A_72 = tpu.memref_squeeze %dma_wait3A_71 : memref<1x512xi32, #tpu.memory_space<hbm>> -> memref<512xi32, #tpu.memory_space<hbm>>
    %dma_wait3A_73 = arith.constant 0 : i32
    %dma_wait3A_74 = tpu.memref_slice %arg12[%dma_wait3A_73] : memref<528xi32, #tpu.memory_space<vmem>> -> memref<512xi32, #tpu.memory_space<vmem>>
    tpu.wait_dma2 semaphore(%arg16 : memref<!tpu.dma_semaphore, #tpu.memory_space<semaphore_mem>>) src(%dma_wait3A_74 : memref<512xi32, #tpu.memory_space<vmem>>) dst(%dma_wait3A_72 : memref<512xi32, #tpu.memory_space<hbm>>)
    return
  }
}

module attributes {stable_mosaic.version = 14 : i64} {
  func.func @_select_body(%arg0: i32, %arg1: memref<512x512xf32, #tpu.memory_space<vmem>>, %arg2: memref<512x512xi32, #tpu.memory_space<vmem>>, %arg3: memref<512x20xi32, #tpu.memory_space<vmem>>, %arg4: memref<512x20xf32, #tpu.memory_space<vmem>>) attributes {dimension_semantics = [#tpu.dimension_semantics<arbitrary>], iteration_bounds = array<i64: 8>, scalar_prefetch = 0 : i64, scratch_operands = 0 : i64, tpu.core_type = #tpu.core_type<tc>, window_params = [{transform_indices = @transform_0, window_bounds = array<i64: 512, 512>}, {transform_indices = @transform_1, window_bounds = array<i64: 512, 512>}, {transform_indices = @transform_2, window_bounds = array<i64: 512, 20>}, {transform_indices = @transform_3, window_bounds = array<i64: 512, 20>}]} {
    %get3A = arith.constant 0 : index
    %get3A_0 = arith.constant 0 : index
    %get3A_1 = vector.load %arg1[%get3A, %get3A_0] : memref<512x512xf32, #tpu.memory_space<vmem>>, vector<512x512xf32>
    %get3A_2 = arith.constant 0 : index
    %get3A_3 = arith.constant 0 : index
    %get3A_4 = vector.load %arg2[%get3A_2, %get3A_3] : memref<512x512xi32, #tpu.memory_space<vmem>>, vector<512x512xi32>
    %iota3A = tpu.iota {dimensions = array<i32: 1>} : vector<512x20xi32>
    %broadcast_in_dim3A = arith.constant 0.000000e+00 : f32
    %broadcast_in_dim3A_5 = vector.broadcast %broadcast_in_dim3A : f32 to vector<512x20xf32>
    %broadcast_in_dim3A_6 = arith.constant 0 : i32
    %broadcast_in_dim3A_7 = vector.broadcast %broadcast_in_dim3A_6 : i32 to vector<512x20xi32>
    %scan3A = arith.constant 0 : i32
    %scan3A_8 = arith.constant 20 : i32
    %scan3A_9 = arith.addi %scan3A, %scan3A_8 : i32
    %scan3A_10 = arith.constant 1 : i32
    %scan3A_11:3 = scf.for %scan3A_26 = %scan3A to %scan3A_9 step %scan3A_10 iter_args(%scan3A_27 = %get3A_1, %scan3A_28 = %broadcast_in_dim3A_5, %scan3A_29 = %broadcast_in_dim3A_7) -> (vector<512x512xf32>, vector<512x20xf32>, vector<512x20xi32>)  : i32 {
      %reduce_max3A = arith.constant dense<0xFF800000> : vector<512xf32>
      %reduce_max3A_30 = vector.multi_reduction <maximumf>, %scan3A_27, %reduce_max3A [1] : vector<512x512xf32> to vector<512xf32>
      %broadcast_in_dim3A_31 = vector.shape_cast %reduce_max3A_30 : vector<512xf32> to vector<512x1xf32>
      %eq3A_32 = vector.broadcast %broadcast_in_dim3A_31 : vector<512x1xf32> to vector<512x512xf32>
      %eq3A_33 = arith.cmpf oeq, %scan3A_27, %eq3A_32 : vector<512x512xf32>
      %jit3A_34 = arith.constant 1073741824 : i32
      %broadcast_in_dim3A_35 = vector.broadcast %jit3A_34 : i32 to vector<512x512xi32>
      %select_n3A_36 = arith.select %eq3A_33, %get3A_4, %broadcast_in_dim3A_35 : vector<512x512xi1>, vector<512x512xi32>
      %reduce_min3A = arith.constant dense<2147483647> : vector<512xi32>
      %reduce_min3A_37 = vector.multi_reduction <minsi>, %select_n3A_36, %reduce_min3A [1] : vector<512x512xi32> to vector<512xi32>
      %broadcast_in_dim3A_38 = vector.shape_cast %reduce_min3A_37 : vector<512xi32> to vector<512x1xi32>
      %eq3A_39 = vector.broadcast %scan3A_26 : i32 to vector<512x20xi32>
      %eq3A_40 = arith.cmpi eq, %iota3A, %eq3A_39 : vector<512x20xi32>
      %broadcast_in_dim3A_41 = vector.shape_cast %broadcast_in_dim3A_31 : vector<512x1xf32> to vector<512x1xf32>
      %broadcast_in_dim3A_42 = vector.broadcast %broadcast_in_dim3A_41 : vector<512x1xf32> to vector<512x20xf32>
      %select_n3A_43 = arith.select %eq3A_40, %broadcast_in_dim3A_42, %scan3A_28 : vector<512x20xi1>, vector<512x20xf32>
      %broadcast_in_dim3A_44 = vector.shape_cast %broadcast_in_dim3A_38 : vector<512x1xi32> to vector<512x1xi32>
      %broadcast_in_dim3A_45 = vector.broadcast %broadcast_in_dim3A_44 : vector<512x1xi32> to vector<512x20xi32>
      %select_n3A_46 = arith.select %eq3A_40, %broadcast_in_dim3A_45, %scan3A_29 : vector<512x20xi1>, vector<512x20xi32>
      %eq3A_47 = vector.broadcast %broadcast_in_dim3A_31 : vector<512x1xf32> to vector<512x512xf32>
      %eq3A_48 = arith.cmpf oeq, %scan3A_27, %eq3A_47 : vector<512x512xf32>
      %eq3A_49 = vector.broadcast %broadcast_in_dim3A_38 : vector<512x1xi32> to vector<512x512xi32>
      %eq3A_50 = arith.cmpi eq, %get3A_4, %eq3A_49 : vector<512x512xi32>
      %and3A = arith.andi %eq3A_48, %eq3A_50 : vector<512x512xi1>
      %jit3A_51 = arith.constant -2.000000e+00 : f32
      %broadcast_in_dim3A_52 = vector.broadcast %jit3A_51 : f32 to vector<512x512xf32>
      %select_n3A_53 = arith.select %and3A, %broadcast_in_dim3A_52, %scan3A_27 : vector<512x512xi1>, vector<512x512xf32>
      scf.yield %select_n3A_53, %select_n3A_43, %select_n3A_46 : vector<512x512xf32>, vector<512x20xf32>, vector<512x20xi32>
    }
    %scan3A_12 = arith.constant 20 : i32
    %gt3A = arith.constant 5.000000e-01 : f32
    %gt3A_13 = vector.broadcast %gt3A : f32 to vector<512x20xf32>
    %gt3A_14 = arith.cmpf ogt, %scan3A_11#1, %gt3A_13 : vector<512x20xf32>
    %eq3A = arith.constant 0 : i32
    %eq3A_15 = vector.broadcast %eq3A : i32 to vector<512x20xi32>
    %eq3A_16 = arith.cmpi eq, %iota3A, %eq3A_15 : vector<512x20xi32>
    %or3A = arith.ori %gt3A_14, %eq3A_16 : vector<512x20xi1>
    %jit3A = arith.constant 0 : i32
    %broadcast_in_dim3A_17 = vector.broadcast %jit3A : i32 to vector<512x20xi32>
    %select_n3A = arith.select %or3A, %scan3A_11#2, %broadcast_in_dim3A_17 : vector<512x20xi1>, vector<512x20xi32>
    %swap3A = arith.constant 0 : index
    %swap3A_18 = arith.constant 0 : index
    %swap3A_19 = vector.load %arg3[%swap3A, %swap3A_18] : memref<512x20xi32, #tpu.memory_space<vmem>>, vector<512x20xi32>
    tpu.vector_store %arg3[%swap3A, %swap3A_18], %select_n3A {strides = array<i32>} : memref<512x20xi32, #tpu.memory_space<vmem>>, vector<512x20xi32>,
    %jit3A_20 = arith.constant 0.000000e+00 : f32
    %broadcast_in_dim3A_21 = vector.broadcast %jit3A_20 : f32 to vector<512x20xf32>
    %select_n3A_22 = arith.select %or3A, %scan3A_11#1, %broadcast_in_dim3A_21 : vector<512x20xi1>, vector<512x20xf32>
    %swap3A_23 = arith.constant 0 : index
    %swap3A_24 = arith.constant 0 : index
    %swap3A_25 = vector.load %arg4[%swap3A_23, %swap3A_24] : memref<512x20xf32, #tpu.memory_space<vmem>>, vector<512x20xf32>
    tpu.vector_store %arg4[%swap3A_23, %swap3A_24], %select_n3A_22 {strides = array<i32>} : memref<512x20xf32, #tpu.memory_space<vmem>>, vector<512x20xf32>,
    return
  }
  func.func @transform_0(%arg0: i32) -> (i32, i32) {
    %c0_i32 = arith.constant 0 : i32
    %c0_i32_0 = arith.constant 0 : i32
    return %arg0, %c0_i32 : i32, i32
  }
  func.func @transform_1(%arg0: i32) -> (i32, i32) {
    %c0_i32 = arith.constant 0 : i32
    %c0_i32_0 = arith.constant 0 : i32
    return %arg0, %c0_i32 : i32, i32
  }
  func.func @transform_2(%arg0: i32) -> (i32, i32) {
    %c0_i32 = arith.constant 0 : i32
    %c0_i32_0 = arith.constant 0 : i32
    return %arg0, %c0_i32 : i32, i32
  }
  func.func @transform_3(%arg0: i32) -> (i32, i32) {
    %c0_i32 = arith.constant 0 : i32
    %c0_i32_0 = arith.constant 0 : i32
    return %arg0, %c0_i32 : i32, i32
  }
}

module attributes {stable_mosaic.version = 14 : i64} {
  func.func @_mm_tau_body(%arg0: i32, %arg1: i32, %arg2: memref<256x2048xbf16, #tpu.memory_space<vmem>>, %arg3: memref<2048x1024xbf16, #tpu.memory_space<vmem>>, %arg4: memref<1x1024xf32, #tpu.memory_space<vmem>>, %arg5: memref<256x1024xf32, #tpu.memory_space<vmem>>, %arg6: memref<256x16xf32, #tpu.memory_space<vmem>>, %arg7: memref<256x128xf32, #tpu.memory_space<vmem>>) attributes {dimension_semantics = [#tpu.dimension_semantics<arbitrary>, #tpu.dimension_semantics<arbitrary>], iteration_bounds = array<i64: 16, 8>, scalar_prefetch = 0 : i64, scratch_operands = 1 : i64, tpu.core_type = #tpu.core_type<tc>, window_params = [{transform_indices = @transform_0, window_bounds = array<i64: 256, 2048>}, {transform_indices = @transform_1, window_bounds = array<i64: 2048, 1024>}, {transform_indices = @transform_2, window_bounds = array<i64: 1, 1024>}, {transform_indices = @transform_3, window_bounds = array<i64: 256, 1024>}, {transform_indices = @transform_4, window_bounds = array<i64: 256, 16>}]} {
    %get3A = arith.constant 0 : index
    %get3A_0 = arith.constant 0 : index
    %get3A_1 = vector.load %arg2[%get3A, %get3A_0] : memref<256x2048xbf16, #tpu.memory_space<vmem>>, vector<256x2048xbf16>
    %get3A_2 = arith.constant 0 : index
    %get3A_3 = arith.constant 0 : index
    %get3A_4 = vector.load %arg3[%get3A_2, %get3A_3] : memref<2048x1024xbf16, #tpu.memory_space<vmem>>, vector<2048x1024xbf16>
    %dot_general3A = arith.constant dense<0.000000e+00> : vector<256x1024xf32>
    %dot_general3A_5 = tpu.matmul %get3A_1, %get3A_4, %dot_general3A {dimension_numbers = #tpu.dot_dimension_numbers<[1], [0], [0], [1], [0, 0, 1, 1], [], []>, transpose_lhs_hint = false} : vector<256x2048xbf16>, vector<2048x1024xbf16>, vector<256x1024xf32> -> vector<256x1024xf32>
    %get3A_6 = arith.constant 0 : index
    %get3A_7 = arith.constant 0 : index
    %get3A_8 = vector.load %arg4[%get3A_6, %get3A_7] : memref<1x1024xf32, #tpu.memory_space<vmem>>, vector<1x1024xf32>
    %add3A = vector.broadcast %get3A_8 : vector<1x1024xf32> to vector<256x1024xf32>
    %add3A_9 = arith.addf %dot_general3A_5, %add3A : vector<256x1024xf32>
    %logistic3A = arith.negf %add3A_9 : vector<256x1024xf32>
    %logistic3A_10 = math.exp %logistic3A : vector<256x1024xf32>
    %logistic3A_11 = arith.constant 1.000000e+00 : f32
    %logistic3A_12 = vector.broadcast %logistic3A_11 : f32 to vector<256x1024xf32>
    %logistic3A_13 = arith.addf %logistic3A_12, %logistic3A_10 : vector<256x1024xf32>
    %logistic3A_14 = arith.divf %logistic3A_12, %logistic3A_13 : vector<256x1024xf32>
    %swap3A = arith.constant 0 : index
    %swap3A_15 = arith.constant 0 : index
    %swap3A_16 = vector.load %arg5[%swap3A, %swap3A_15] : memref<256x1024xf32, #tpu.memory_space<vmem>>, vector<256x1024xf32>
    tpu.vector_store %arg5[%swap3A, %swap3A_15], %logistic3A_14 {strides = array<i32>} : memref<256x1024xf32, #tpu.memory_space<vmem>>, vector<256x1024xf32>,
    %slice3A = vector.extract_strided_slice %logistic3A_14 {offsets = [0, 0], sizes = [256, 128], strides = [1, 1]} : vector<256x1024xf32> to vector<256x128xf32>
    %slice3A_17 = vector.extract_strided_slice %logistic3A_14 {offsets = [0, 128], sizes = [256, 128], strides = [1, 1]} : vector<256x1024xf32> to vector<256x128xf32>
    %max3A = arith.maximumf %slice3A, %slice3A_17 : vector<256x128xf32>
    %slice3A_18 = vector.extract_strided_slice %logistic3A_14 {offsets = [0, 256], sizes = [256, 128], strides = [1, 1]} : vector<256x1024xf32> to vector<256x128xf32>
    %max3A_19 = arith.maximumf %max3A, %slice3A_18 : vector<256x128xf32>
    %slice3A_20 = vector.extract_strided_slice %logistic3A_14 {offsets = [0, 384], sizes = [256, 128], strides = [1, 1]} : vector<256x1024xf32> to vector<256x128xf32>
    %max3A_21 = arith.maximumf %max3A_19, %slice3A_20 : vector<256x128xf32>
    %slice3A_22 = vector.extract_strided_slice %logistic3A_14 {offsets = [0, 512], sizes = [256, 128], strides = [1, 1]} : vector<256x1024xf32> to vector<256x128xf32>
    %max3A_23 = arith.maximumf %max3A_21, %slice3A_22 : vector<256x128xf32>
    %slice3A_24 = vector.extract_strided_slice %logistic3A_14 {offsets = [0, 640], sizes = [256, 128], strides = [1, 1]} : vector<256x1024xf32> to vector<256x128xf32>
    %max3A_25 = arith.maximumf %max3A_23, %slice3A_24 : vector<256x128xf32>
    %slice3A_26 = vector.extract_strided_slice %logistic3A_14 {offsets = [0, 768], sizes = [256, 128], strides = [1, 1]} : vector<256x1024xf32> to vector<256x128xf32>
    %max3A_27 = arith.maximumf %max3A_25, %slice3A_26 : vector<256x128xf32>
    %slice3A_28 = vector.extract_strided_slice %logistic3A_14 {offsets = [0, 896], sizes = [256, 128], strides = [1, 1]} : vector<256x1024xf32> to vector<256x128xf32>
    %max3A_29 = arith.maximumf %max3A_27, %slice3A_28 : vector<256x128xf32>
    %eq3A = arith.constant 0 : i32
    %eq3A_30 = arith.cmpi eq, %arg1, %eq3A : i32
    %get3A_31 = arith.constant 0 : index
    %get3A_32 = arith.constant 0 : index
    %get3A_33 = vector.load %arg7[%get3A_31, %get3A_32] : memref<256x128xf32, #tpu.memory_space<vmem>>, vector<256x128xf32>
    %max3A_34 = arith.maximumf %get3A_33, %max3A_29 : vector<256x128xf32>
    %select_n3A = arith.select %eq3A_30, %max3A_29, %max3A_34 : vector<256x128xf32>
    %swap3A_35 = arith.constant 0 : index
    %swap3A_36 = arith.constant 0 : index
    %swap3A_37 = vector.load %arg7[%swap3A_35, %swap3A_36] : memref<256x128xf32, #tpu.memory_space<vmem>>, vector<256x128xf32>
    tpu.vector_store %arg7[%swap3A_35, %swap3A_36], %select_n3A {strides = array<i32>} : memref<256x128xf32, #tpu.memory_space<vmem>>, vector<256x128xf32>,
    %eq3A_38 = arith.constant 7 : i32
    %eq3A_39 = arith.cmpi eq, %arg1, %eq3A_38 : i32
    %convert_element_type3A = arith.extui %eq3A_39 : i1 to i32
    %cond3A = arith.constant 0 : i32
    %cond3A_40 = arith.cmpi ne, %convert_element_type3A, %cond3A : i32
    scf.if %cond3A_40 {
      %get3A_41 = arith.constant 0 : index
      %get3A_42 = arith.constant 0 : index
      %get3A_43 = vector.load %arg7[%get3A_41, %get3A_42] : memref<256x128xf32, #tpu.memory_space<vmem>>, vector<256x128xf32>
      %scan3A = arith.constant 0 : i32
      %scan3A_44 = arith.constant 19 : i32
      %scan3A_45 = arith.addi %scan3A, %scan3A_44 : i32
      %scan3A_46 = arith.constant 1 : i32
      %scan3A_47 = scf.for %scan3A_54 = %scan3A to %scan3A_45 step %scan3A_46 iter_args(%scan3A_55 = %get3A_43) -> (vector<256x128xf32>)  : i32 {
        %reduce_max3A_56 = arith.constant dense<0xFF800000> : vector<256xf32>
        %reduce_max3A_57 = vector.multi_reduction <maximumf>, %scan3A_55, %reduce_max3A_56 [1] : vector<256x128xf32> to vector<256xf32>
        %broadcast_in_dim3A_58 = vector.shape_cast %reduce_max3A_57 : vector<256xf32> to vector<256x1xf32>
        %eq3A_59 = vector.broadcast %broadcast_in_dim3A_58 : vector<256x1xf32> to vector<256x128xf32>
        %eq3A_60 = arith.cmpf oeq, %scan3A_55, %eq3A_59 : vector<256x128xf32>
        %jit3A = arith.constant -1.000000e+00 : f32
        %broadcast_in_dim3A_61 = vector.broadcast %jit3A : f32 to vector<256x128xf32>
        %select_n3A_62 = arith.select %eq3A_60, %broadcast_in_dim3A_61, %scan3A_55 : vector<256x128xi1>, vector<256x128xf32>
        scf.yield %select_n3A_62 : vector<256x128xf32>
      }
      %reduce_max3A = arith.constant dense<0xFF800000> : vector<256xf32>
      %reduce_max3A_48 = vector.multi_reduction <maximumf>, %scan3A_47, %reduce_max3A [1] : vector<256x128xf32> to vector<256xf32>
      %broadcast_in_dim3A = vector.shape_cast %reduce_max3A_48 : vector<256xf32> to vector<256x1xf32>
      %broadcast_in_dim3A_49 = vector.shape_cast %broadcast_in_dim3A : vector<256x1xf32> to vector<256x1xf32>
      %broadcast_in_dim3A_50 = vector.broadcast %broadcast_in_dim3A_49 : vector<256x1xf32> to vector<256x16xf32>
      %swap3A_51 = arith.constant 0 : index
      %swap3A_52 = arith.constant 0 : index
      %swap3A_53 = vector.load %arg6[%swap3A_51, %swap3A_52] : memref<256x16xf32, #tpu.memory_space<vmem>>, vector<256x16xf32>
      tpu.vector_store %arg6[%swap3A_51, %swap3A_52], %broadcast_in_dim3A_50 {strides = array<i32>} : memref<256x16xf32, #tpu.memory_space<vmem>>, vector<256x16xf32>,
    } else {
    }
    return
  }
  func.func @transform_0(%arg0: i32, %arg1: i32) -> (i32, i32) {
    %c0_i32 = arith.constant 0 : i32
    %c0_i32_0 = arith.constant 0 : i32
    return %arg0, %c0_i32 : i32, i32
  }
  func.func @transform_1(%arg0: i32, %arg1: i32) -> (i32, i32) {
    %c0_i32 = arith.constant 0 : i32
    %c0_i32_0 = arith.constant 0 : i32
    return %c0_i32, %arg1 : i32, i32
  }
  func.func @transform_2(%arg0: i32, %arg1: i32) -> (i32, i32) {
    %c0_i32 = arith.constant 0 : i32
    %c0_i32_0 = arith.constant 0 : i32
    return %c0_i32, %arg1 : i32, i32
  }
  func.func @transform_3(%arg0: i32, %arg1: i32) -> (i32, i32) {
    %c0_i32 = arith.constant 0 : i32
    return %arg0, %arg1 : i32, i32
  }
  func.func @transform_4(%arg0: i32, %arg1: i32) -> (i32, i32) {
    %c0_i32 = arith.constant 0 : i32
    %c0_i32_0 = arith.constant 0 : i32
    return %arg0, %c0_i32 : i32, i32
  }
}

</mosaic_0001>

<sc_bundles>
// kernel: kernel.5.cloned.1.call-start
scs
__scs_entry_jumppad:
0x0: {  	(pc) =	sbr.rel $0x88, $3  }
0x1: {  	(tag) =	ssettag $0x0;
	lr =	simm.s32 $0x1  }
0x2: {  	[smem:$0x3F9E] =	sst lr;
	_ =	strace $0xD0000000  }
0x3: {  	_ = 	snop  }
0x4: {  	_ = 	snop  }
0x5: {  	_ = 	snop  }
0x6: {  	_ = 	snop  }
0x7: {  	_ = 	snop  }
__scs_overlays_trampoline_lowered:
0x8: {  	[smem:$0x3FAD] =	sst s0  }
0x9: {  	[smem:$0x3FAE] =	sst s1  }
0xa: {  	[smem:$0x3FAF] =	sst s2  }
0xb: {  	[smem:$0x3FB0] =	sst s3  }
0xc: {  	[smem:$0x3FB1] =	sst s4  }
0xd: {  	[smem:$0x3FB2] =	sst s5  }
0xe: {  	[smem:$0x3FB3] =	sst s6  }
0xf: {  	[smem:$0x3FB4] =	sst s7  }
0x10: {  	[smem:$0x3FB5] =	sst s8  }
0x11: {  	[smem:$0x3FB6] =	sst s9;
	s0 =	simm.s32 @!p0 $0x0  }
0x12: {  	s1 =	sld [smem:$0x3F9C];
	s0 =	simm.s32 @p0 $0x1  }
0x13: {  	[smem:$0x3FB7] =	sst s0;
	s0 =	simm.s32 @!p1 $0x0  }
0x14: {  	s2 =	sld [smem:$0x3F9B];
	s0 =	simm.s32 @p1 $0x1  }
0x15: {  	[smem:$0x3FB8] =	sst s0;
	s0 =	simm.s32 @!p2 $0x0  }
0x16: {  	s3 =	sld [smem:$0x3FDB];
	s0 =	simm.s32 @p2 $0x1  }
0x17: {  	s4 =	simm.s32 $0x1BF5;
	[smem:$0x3FBA] =	sst s0  }
0x18: {  	s0 =	sld [smem:$0x3F9D];
	_ =	swait.ge [sflag:s4], $0x0  }
0x19: {  	s7 =	sld [smem:$0x3F9E]  }
0x1a: {  	s8 =	sadd.s32 $0xFFFFE003, lr  }
0x1b: {  	s9 =	sadd.s32 $0xFFFFFEF7, lr;
	s5 =	simm.s32 $0xFFFFFFFF;
	p2 =	slt.u32 s8, $0xFFFFF086  }
0x1c: {  	p1 =	slt.u32 s9, $0xF7A;
	s5 =	simm.s32 @!p2 $0x0  }
0x1d: {  	s5 =	simm.s32 @p1 $0x1;
	p0 =	seq.s32 s7, s2  }
0x1e: {  	s7 =	smul.u32 @!p0 $0xF7A, s2;
	p2 =	seq.s32 @!p0 s5, $0x0  }
0x1f: {  	s9 =	smul.u32 $0xF7A, s1;
	s8 =	simm.s32 @!p0 $0x1BF5;
	p2 =	por !p2, p0  }
0x20: {  	[sflag:s8] =	ssyncset.s32 @!p0 $0xFFFFF086;
	s6 =	sadd.s32 @!p0 s3, s7;
	s7 =	simm.s32 @!p0 $0x108  }
0x21: {  	s3 =	sadd.s32 s3, s9;
	s6 =	sadd.s32 @!p0 $0x88, s6;
	s7 =	simm.s32 @p2 $0x1082  }
0x22: {  	[simem:s7], [sflag:s8] =	dma.local @!p0 [hbm:s6], $0xF7A  }
0x23: {  	s9 =	sor.u32 $0xD0000000, s2;
	s6 =	simm.s32 $0x108;
	_ =	swait.ge @!p0 [sflag:s8], $0x0  }
0x24: {  	s3 =	sadd.s32 $0x88, s3;
	s6 =	simm.s32 @!p1 $0x1082;
	[sflag:s4] =	ssyncset.s32 $0xFFFFF086  }
0x25: {  	[simem:s6], [sflag:s4] =	dma.local [hbm:s3], $0xF7A  }
0x26: {  	[smem:$0x3F9E] =	sst s1;
	(tag) =	ssettag s2;
	_ =	strace s9  }
0x27: {  	s1 =	sld [smem:$0x3FAE]  }
0x28: {  	s2 =	sld [smem:$0x3FAF]  }
0x29: {  	s4 =	sld [smem:$0x3FB1]  }
0x2a: {  	p0 =	seq.s32 s5, $0x0;
	s5 =	sld [smem:$0x3FB2]  }
0x2b: {  	s6 =	sld [smem:$0x3FB3]  }
0x2c: {  	s7 =	sld [smem:$0x3FB4]  }
0x2d: {  	s3 =	simm.s32 $0x108;
	s8 =	sld [smem:$0x3FB5]  }
0x2e: {  	s3 =	simm.s32 @!p0 $0x1082;
	s9 =	sld [smem:$0x3FB6]  }
0x2f: {  	lr =	sadd.s32 s0, s3;
	s0 =	sld [smem:$0x3FAD]  }
0x30: {  	s3 =	sld [smem:$0x3FB0]  }
0x31: {  	[smem:$0x3FB9] =	sst s10  }
0x32: {  	s10 =	sld [smem:$0x3FB7];
	_ =	sdelay $0x3  }
0x33: {  	p0 =	seq.s32 s10, $0x1;
	s10 =	sld [smem:$0x3FB9];
	_ =	sdelay $0x3  }
0x34: {  	[smem:$0x3FB9] =	sst s10  }
0x35: {  	s10 =	sld [smem:$0x3FB8];
	_ =	sdelay $0x3  }
0x36: {  	p1 =	seq.s32 s10, $0x1;
	s10 =	sld [smem:$0x3FB9];
	_ =	sdelay $0x3  }
0x37: {  	[smem:$0x3FB9] =	sst s10  }
0x38: {  	s10 =	sld [smem:$0x3FBA]  }
0x39: {  	_ = 	snop;
	(pc) =	sbr.ind lr, $3  }
0x3a: {  	_ = 	snop  }
0x3b: {  	_ = 	snop  }
0x3c: {  	p2 =	seq.s32 s10, $0x1;
	s10 =	sld [smem:$0x3FB9]  }
0x3d: {  	_ =	shalt  }
0x3e: {  	_ =	shalt  }
0x3f: {  	_ =	shalt  }
0x40: {  	_ =	shalt  }
0x41: {  	_ =	shalt  }
0x42: {  	_ =	shalt  }
0x43: {  	_ =	shalt  }
0x44: {  	_ =	shalt  }
0x45: {  	_ =	shalt  }
0x46: {  	_ =	shalt  }
0x47: {  	_ =	shalt  }
0x48: {  	_ =	shalt  }
0x49: {  	_ =	shalt  }
0x4a: {  	_ =	shalt  }
0x4b: {  	_ =	shalt  }
0x4c: {  	_ =	shalt  }
0x4d: {  	_ =	shalt  }
0x4e: {  	_ =	shalt  }
0x4f: {  	_ =	shalt  }
0x50: {  	_ =	shalt  }
0x51: {  	_ =	shalt  }
0x52: {  	_ =	shalt  }
0x53: {  	_ =	shalt  }
0x54: {  	_ =	shalt  }
0x55: {  	_ =	shalt  }
0x56: {  	_ =	shalt  }
0x57: {  	_ =	shalt  }
0x58: {  	_ =	shalt  }
0x59: {  	_ =	shalt  }
0x5a: {  	_ =	shalt  }
0x5b: {  	_ =	shalt  }
0x5c: {  	_ =	shalt  }
0x5d: {  	_ =	shalt  }
0x5e: {  	_ =	shalt  }
0x5f: {  	_ =	shalt  }
0x60: {  	_ =	shalt  }
0x61: {  	_ =	shalt  }
0x62: {  	_ =	shalt  }
0x63: {  	_ =	shalt  }
0x64: {  	_ =	shalt  }
0x65: {  	_ =	shalt  }
0x66: {  	_ =	shalt  }
0x67: {  	_ =	shalt  }
0x68: {  	_ =	shalt  }
0x69: {  	_ =	shalt  }
0x6a: {  	_ =	shalt  }
0x6b: {  	_ =	shalt  }
0x6c: {  	_ =	shalt  }
0x6d: {  	_ =	shalt  }
0x6e: {  	_ =	shalt  }
0x6f: {  	_ =	shalt  }
0x70: {  	_ =	shalt  }
0x71: {  	_ =	shalt  }
0x72: {  	_ =	shalt  }
0x73: {  	_ =	shalt  }
0x74: {  	_ =	shalt  }
0x75: {  	_ =	shalt  }
0x76: {  	_ =	shalt  }
0x77: {  	_ =	shalt  }
0x78: {  	_ =	shalt  }
0x79: {  	_ =	shalt  }
0x7a: {  	_ =	shalt  }
0x7b: {  	_ =	shalt  }
0x7c: {  	_ =	shalt  }
0x7d: {  	_ =	shalt  }
0x7e: {  	_ =	shalt  }
0x7f: {  	_ =	shalt  }
0x80: {  	_ =	shalt  }
0x81: {  	_ =	shalt  }
0x82: {  	_ =	shalt  }
0x83: {  	_ =	shalt  }
0x84: {  	_ =	shalt  }
0x85: {  	_ =	shalt  }
0x86: {  	_ =	shalt  }
0x87: {  	_ =	shalt  }
.Lfunc_end0:
.L_simem_size_0:
called_computation_lowered:
.L_overlay_start_0:
0x88: {  	s2 =	sld [smem:$0x3FD9]  }
0x89: {  	s3 =	sld [smem:$0x3FFE];
	_ =	sdelay $0x1  }
0x8a: {  	s1 =	srdreg.scid  }
0x8b: {  	s0 =	sand.u32 $0x1, s1  }
0x8c: {  	s16 =	sshll.u32 s0, $0xA;
	s2 =	sadd.s32 s3, s2  }
0x8d: {  	s2 =	sadd.s32 s2, s16  }
0x8e: {  	[smem:$0x3FC5] =	sst s2  }
0x8f: {  	_ = 	snop  }
0x90: {  	(tm) =	ssettm $0x1  }
0x91: {  	s17 =	sld [smem:$0x3FFB];
	_ =	sdelay $0x3  }
0x92: {  	_ =	strace s17  }
0x93: {  	s2 =	sld [smem:$0x3FFC];
	_ =	sdelay $0x3  }
0x94: {  	_ =	strace s2  }
0x95: {  	s2 =	sld [smem:$0x3FFD];
	_ =	sdelay $0x3  }
0x96: {  	_ =	strace s2  }
0x97: {  	_ =	strace $0x8FFFFFFF  }
0x98: {  	s18 =	sld [smem:$0x3FDB];
	_ =	sdelay $0x1  }
0x99: {  	s19 =	simm.s32 $_scs_section_size  }
0x9a: {  	s4 =	simm.s32 $_size__tile_overlayer_lowered;
	s5 =	simm.s32 $_tile_overlayer_lowered  }
0x9b: {  	s22 =	simm.s32 $0x1BFF;
	s21 =	sshll.u32 s5, $0x1;
	s2 =	sadd.s32 s19, s18  }
0x9c: {  	s6 =	simm.s32 $0x0;
	s20 =	sshll.u32 s4, $0x1;
	s4 =	sadd.s32 s21, s2  }
0x9d: {  	[timem:s6], [sflag:s22] =	dma.local [hbm:s4], s20  }
0x9e: {  	_ =	swait.ge [sflag:s22], s20  }
0x9f: {  	s3 =	ssub.s32 $0x0, s20;
	[sflag:s22] =	ssyncset.done $0x0  }
0xa0: {  	[sflag:s22] =	ssyncadd.s32 s3;
	_ =	sdelay $0x1  }
0xa1: {  	s23 =	simm.s32 $0x1B8B  }
0xa2: {  	_ =	swait.ge [sflag:s23], $0x1  }
0xa3: {  	[sflag:s23] =	ssyncset.done $0x0  }
0xa4: {  	s25 =	simm.s32 $0x1B8E;
	s24 =	sld [smem:$0x3FFE];
	[sflag:s23] =	ssyncadd.s32 $0xFFFFFFFF  }
0xa5: {  	s26 =	simm.s32 $execute0_lowered;
	[smem:$0x3FD2] =	sst s25  }
0xa6: {  	s4 =	sshll.u32 s26, $0x1;
	_ =	strace $0x80000046;
	[dreg:$0x1] =	wrdreg $0xFFFFFFFF  }
0xa7: {  	s28 =	simm.s32 $_size_execute0_lowered;
	s2 =	sadd.s32 s2, s4;
	[dreg:$0x0] =	wrdreg $0x0  }
0xa8: {  	s4 =	sshll.u32 s28, $0x1;
	[dreg:$0x2] =	wrdreg s2  }
0xa9: {  	[dreg:$0x3] =	wrdreg s4  }
0xaa: {  	[dreg:$0x4] =	wrdreg $0xC0  }
0xab: {  	_ =	task [dreg:s6], $0x5FFFF  }
0xac: {  	[dreg:$0x1] =	wrdreg $0xFFFFFFFF  }
0xad: {  	[dreg:$0x0] =	wrdreg $0x60  }
0xae: {  	[dreg:$0x2] =	wrdreg s24  }
0xaf: {  	[dreg:$0x3] =	wrdreg $0x9  }
0xb0: {  	_ =	task.clear_ibuf [dreg:s6], $0x4FFFF;
	_ =	strace $0x90000046  }
0xb1: {  	s29 =	simm.s32 $0x9;
	_ =	strace $0x80000048  }
0xb2: {  	_ =	swait.ge [sflag:s29], $0x1  }
0xb3: {  	[sflag:s29] =	ssyncadd.s32 $0xFFFFFFFF  }
0xb4: {  	_ =	strace $0x90000048  }
0xb5: {  	_ =	sfence  }
0xb6: {  	s30 =	sld [smem:$0x0];
	_ =	sdelay $0x2  }
0xb7: {  	s31 =	sshll.u32 s1, $0xD;
	s1 =	sshrl.u32 s1, $0x2  }
0xb8: {  	s3 =	sand.u32 $0x4000, s31;
	s1 =	sadd.s32 s1, s30  }
0xb9: {  	s0 =	sor.u32 s3, s0;
	s1 =	sshll.u32 s1, $0x11  }
0xba: {  	s0 =	sor.u32 s1, s0  }
0xbb: {  	s0 =	sadd.s32 $0x8F2B, s0  }
0xbc: {  	[sflag:s0] =	ssyncadd.remote.s32 $0x1  }
0xbd: {  	_ =	sfence.sel $0xFFFF  }
0xbe: {  	[dreg:$0x0] =	wrdreg $0xFFFFFFFF;
	(pc) =	sbr.abs _section_cstart, $3  }
0xbf: {  	[dreg:$0x1] =	wrdreg $0xFFFFFFFF  }
0xc0: {  	_ =	task.clear_ibuf [dreg:s6], $0x2FFFF;
	_ =	strace $0x9FFFFFFF  }
0xc1: {  	(tm) =	ssettm $0x7FFFFFFF  }
tec
execute0_lowered:
.L_overlay_start_1:
0x0: {  	(tag) =	ssettag $0x1  }
0x1: {  	s0 =	srdreg.scid  }
0x2: {  	s2 =	stileid.u32;
	s1 =	rddreg [dreg:$0x0]  }
0x3: {  	s12 =	simm.s32 $0x5;
	s13 =	simm.s32 $0x80;
	s14 =	simm.s32 $0x400  }
0x4: {  	s15 =	simm.s32 $0x2000;
	s16 =	simm.s32 $0x1;
	s17 =	simm.s32 $0x8000  }
0x5: {  	s18 =	simm.s32 $0x8280;
	s19 =	simm.s32 $0x2;
	s20 =	simm.s32 $0x8500  }
0x6: {  	s21 =	simm.s32 $0x8780;
	s22 =	simm.s32 $0x3;
	s23 =	simm.s32 $0x4  }
0x7: {  	s24 =	simm.s32 $0x0;
	s0 =	sand.u32 $0x1, s0;
	s3 =	sshll.u32 s2, $0x8  }
0x8: {  	s2 =	simm.s32 $0x0;
	s6 =	sadd.s32 $0x51400, s1;
	s4 =	sshll.u32 s0, $0x7  }
0x9: {  	[smem:$0x7FF] =	sst s2;
	s0 =	ssub.s32 $0x2, s0;
	s3 =	sor.u32 s4, s3  }
0xa: {  	_ =	strace $0x80000047;
	s4 =	sadd.s32 $0x101400, s1;
	s31 =	sshrl.u32 s0, $0x1  }
0xb: {  	s5 =	sshll.u32 s3, $0x4;
	s7 =	sshll.u32 s3, $0xA;
	s0 =	ssub.s32 s0, s31  }
0xc: {  	s8 =	sadd.s32 s5, s1;
	s5 =	sadd.s32 $0x11400, s1;
	s7 =	sadd.s32 s4, s7  }
0xd: {  	v0 =	vimm.f32 $-1.000000000e+00;
	v1 =	vimm.s32 $0x0;
	v2 =	vlaneseq.u32;
	s10 =	smax.u32 s0, $0x1;
	s8 =	sadd.s32 $0x1400, s8;
	s9 =	sadd.s32 $0x10, s7  }
.LBB2_1:
0xe: {  	s0 =	simm.s32 $0x4000  }
0xf: {  	[tilespmem:s0], [sflag:$0x5] =	stream.linear.gather [hbm4b:s8+s2], $0x4000, $0x38;
	[tilespmem:$0x8A00] =	vst v63  }
0x10: {  	_ =	swait.ge [sflag:s12], $0x4000  }
0x11: {  	[sflag:s12] =	ssyncset.done $0x0  }
0x12: {  	[sflag:s12] =	ssyncadd.s32 $0xFFFFC000  }
0x13: {  	[tilespmem:s2], [sflag:$0x1] =	stream.strided.gather [hbm4b:s7+s13], $0x2000, s14, s13, $0x38;
	[tilespmem:$0x8A00] =	vst v63  }
0x14: {  	s25 =	simm.s32 $0x0  }
0x15: {  	[tilespmem:s15], [sflag:$0x2] =	stream.strided.gather [hbm4b:s9+s13], $0x2000, s14, s13, $0x38;
	[tilespmem:$0x8A00] =	vst v63  }
.LBB2_2:
0x16: {  	_ =	swait.ge [sflag:s16], $0x2000  }
0x17: {  	p0 =	seq.s32 s25, $0x0;
	[sflag:s16] =	ssyncset.done $0x0  }
0x18: {  	s0 =	simm.s32 @!p0 $0x3;
	[sflag:s16] =	ssyncadd.s32 $0xFFFFE000  }
0x19: {  	_ =	swait.ge @!p0 [sflag:s0], $0x200  }
0x1a: {  	[sflag:s0] =	ssyncset.done @!p0 $0x0  }
0x1b: {  	[sflag:s0] =	ssyncadd.s32 @!p0 $0xFFFFFE00  }
0x1c: {  	_ =	swait.ge @!p0 [sflag:s0], $0x200  }
0x1d: {  	s1 =	sshll.u32 s25, $0x8;
	[sflag:s0] =	ssyncset.done @!p0 $0x0  }
0x1e: {  	s1 =	sand.u32 $0x3FFFFF00, s1;
	[sflag:s0] =	ssyncadd.s32 @!p0 $0xFFFFFE00  }
0x1f: {  	v3 =	vld [tilespmem:s1+$0x4000];
	[tilespmem:$0x8000] =	vst v0  }
0x20: {  	[tilespmem:$0x8280] =	vst v1  }
0x21: {  	[tilespmem:$0x8010] =	vst v0  }
0x22: {  	[tilespmem:$0x8290] =	vst v1  }
0x23: {  	[tilespmem:$0x8020] =	vst v0  }
0x24: {  	[tilespmem:$0x82A0] =	vst v1  }
0x25: {  	[tilespmem:$0x8030] =	vst v0  }
0x26: {  	[tilespmem:$0x82B0] =	vst v1  }
0x27: {  	[tilespmem:$0x8040] =	vst v0  }
0x28: {  	[tilespmem:$0x82C0] =	vst v1  }
0x29: {  	[tilespmem:$0x8050] =	vst v0  }
0x2a: {  	[tilespmem:$0x82D0] =	vst v1  }
0x2b: {  	[tilespmem:$0x8060] =	vst v0  }
0x2c: {  	[tilespmem:$0x82E0] =	vst v1  }
0x2d: {  	[tilespmem:$0x8070] =	vst v0  }
0x2e: {  	[tilespmem:$0x82F0] =	vst v1  }
0x2f: {  	[tilespmem:$0x8080] =	vst v0  }
0x30: {  	[tilespmem:$0x8300] =	vst v1  }
0x31: {  	[tilespmem:$0x8090] =	vst v0  }
0x32: {  	[tilespmem:$0x8310] =	vst v1  }
0x33: {  	[tilespmem:$0x80A0] =	vst v0  }
0x34: {  	[tilespmem:$0x8320] =	vst v1  }
0x35: {  	[tilespmem:$0x80B0] =	vst v0  }
0x36: {  	[tilespmem:$0x8330] =	vst v1  }
0x37: {  	[tilespmem:$0x80C0] =	vst v0  }
0x38: {  	[tilespmem:$0x8340] =	vst v1  }
0x39: {  	[tilespmem:$0x80D0] =	vst v0  }
0x3a: {  	[tilespmem:$0x8350] =	vst v1  }
0x3b: {  	[tilespmem:$0x80E0] =	vst v0  }
0x3c: {  	[tilespmem:$0x8360] =	vst v1  }
0x3d: {  	[tilespmem:$0x80F0] =	vst v0  }
0x3e: {  	[tilespmem:$0x8370] =	vst v1  }
0x3f: {  	[tilespmem:$0x8100] =	vst v0  }
0x40: {  	[tilespmem:$0x8380] =	vst v1  }
0x41: {  	[tilespmem:$0x8110] =	vst v0  }
0x42: {  	[tilespmem:$0x8390] =	vst v1  }
0x43: {  	[tilespmem:$0x8120] =	vst v0  }
0x44: {  	[tilespmem:$0x83A0] =	vst v1  }
0x45: {  	[tilespmem:$0x8130] =	vst v0  }
0x46: {  	[tilespmem:$0x83B0] =	vst v1  }
0x47: {  	[tilespmem:$0x8140] =	vst v0  }
0x48: {  	[tilespmem:$0x83C0] =	vst v1  }
0x49: {  	[tilespmem:$0x8150] =	vst v0  }
0x4a: {  	[tilespmem:$0x83D0] =	vst v1  }
0x4b: {  	[tilespmem:$0x8160] =	vst v0  }
0x4c: {  	[tilespmem:$0x83E0] =	vst v1  }
0x4d: {  	[tilespmem:$0x8170] =	vst v0  }
0x4e: {  	[tilespmem:$0x83F0] =	vst v1  }
0x4f: {  	[tilespmem:$0x8180] =	vst v0  }
0x50: {  	[tilespmem:$0x8400] =	vst v1  }
0x51: {  	[tilespmem:$0x8190] =	vst v0  }
0x52: {  	[tilespmem:$0x8410] =	vst v1  }
0x53: {  	[tilespmem:$0x81A0] =	vst v0  }
0x54: {  	[tilespmem:$0x8420] =	vst v1  }
0x55: {  	[tilespmem:$0x81B0] =	vst v0  }
0x56: {  	[tilespmem:$0x8430] =	vst v1  }
0x57: {  	[tilespmem:$0x81C0] =	vst v0  }
0x58: {  	[tilespmem:$0x8440] =	vst v1  }
0x59: {  	[tilespmem:$0x81D0] =	vst v0  }
0x5a: {  	[tilespmem:$0x8450] =	vst v1  }
0x5b: {  	[tilespmem:$0x81E0] =	vst v0  }
0x5c: {  	s26 =	sshll.u32 s25, $0x1;
	s11 =	sshll.u32 s25, $0x5;
	[tilespmem:$0x8460] =	vst v1  }
0x5d: {  	s30 =	simm.s32 $0xFFFFFFF8;
	s31 =	simm.s32 $0x70;
	s29 =	sor.u32 s3, s26;
	[tilespmem:$0x81F0] =	vst v0  }
0x5e: {  	s28 =	sand.u32 $0x60, s11;
	s0 =	simm.s32 $0x0;
	[tilespmem:$0x8470] =	vst v1;
	s1 =	simm.s32 $0x40  }
.LBB2_3:
0x5f: {  	v4 =	vld [tilespmem:s1+$0xFFFFFFC0];
	_ =	sdelay $0x4  }
0x60: {  	vm0 =	vge.f32 v4, v3  }
0x61: {  	v5 =	vsel vm0, $0x1, v1  }
0x62: {  	(xrf0) =	vadd.scan.msk.s32 $0xffff, v5;
	_ =	sdelay $0x2  }
0x63: {  	v5 =	vmov s0  }
0x64: {  	v5 =	vadd.s32 $0xFFFFFFFF, v5  }
0x65: {  	v5 =	vbroadcast v5, $0x0  }
0x66: {  	v6, _, _ =	vpop (xrf0)  }
0x67: {  	v50 =	vmpcnt.ones.xlane vm0;
	v5 =	vadd.s32 v6, v5  }
0x68: {  	vm1 =	vlt.s32 v5, $0x200  }
0x69: {  	(v2sf) =	vpush v50, $0x0;
	v5 =	vnsel vm1, $0x200, v5;
	_ =	sdelay $0x3  }
0x6a: {  	s11 =	sadd.s32 $0xFFFFFF90, s31  }
0x6b: {  	[tilespmem:v5+s17+$0x0] =	vst.idx.msk vm0, v4;
	v4 =	vor.u32 s11, v2  }
0x6c: {  	[tilespmem:v5+s18+$0x0] =	vst.idx.msk vm0, v4  }
0x6d: {  	v4 =	vld [tilespmem:s1+$0xFFFFFFD0];
	_ =	sdelay $0x4  }
0x6e: {  	vm14 =	vge.f32 v4, v3  }
0x6f: {  	v5 =	vsel vm14, $0x1, v1  }
0x70: {  	(xrf0) =	vadd.scan.msk.s32 $0xffff, v5  }
0x71: {  	s11 =	spop (v2sf)  }
0x72: {  	s0 =	sadd.s32 s0, s11  }
0x73: {  	v5 =	vmov s0  }
0x74: {  	v5 =	vadd.s32 $0xFFFFFFFF, v5  }
0x75: {  	v5 =	vbroadcast v5, $0x0  }
0x76: {  	v51, _, _ =	vpop (xrf0)  }
0x77: {  	v52 =	vmpcnt.ones.xlane vm14;
	v5 =	vadd.s32 v51, v5  }
0x78: {  	vm15 =	vlt.s32 v5, $0x200  }
0x79: {  	(v2sf) =	vpush v52, $0x0;
	v5 =	vnsel vm15, $0x200, v5;
	_ =	sdelay $0x3  }
0x7a: {  	s11 =	sadd.s32 $0xFFFFFFA0, s31  }
0x7b: {  	[tilespmem:v5+s17+$0x0] =	vst.idx.msk vm14, v4;
	v4 =	vor.u32 s11, v2  }
0x7c: {  	[tilespmem:v5+s18+$0x0] =	vst.idx.msk vm14, v4  }
0x7d: {  	v4 =	vld [tilespmem:s1+$0xFFFFFFE0];
	_ =	sdelay $0x4  }
0x7e: {  	vm4 =	vge.f32 v4, v3  }
0x7f: {  	v5 =	vsel vm4, $0x1, v1  }
0x80: {  	(xrf0) =	vadd.scan.msk.s32 $0xffff, v5  }
0x81: {  	s11 =	spop (v2sf)  }
0x82: {  	s0 =	sadd.s32 s0, s11  }
0x83: {  	v5 =	vmov s0  }
0x84: {  	v5 =	vadd.s32 $0xFFFFFFFF, v5  }
0x85: {  	v5 =	vbroadcast v5, $0x0  }
0x86: {  	v53, _, _ =	vpop (xrf0)  }
0x87: {  	v54 =	vmpcnt.ones.xlane vm4;
	v5 =	vadd.s32 v53, v5  }
0x88: {  	vm5 =	vlt.s32 v5, $0x200  }
0x89: {  	(v2sf) =	vpush v54, $0x0;
	v5 =	vnsel vm5, $0x200, v5;
	_ =	sdelay $0x3  }
0x8a: {  	s11 =	sadd.s32 $0xFFFFFFB0, s31  }
0x8b: {  	[tilespmem:v5+s17+$0x0] =	vst.idx.msk vm4, v4;
	v4 =	vor.u32 s11, v2  }
0x8c: {  	[tilespmem:v5+s18+$0x0] =	vst.idx.msk vm4, v4  }
0x8d: {  	v4 =	vld [tilespmem:s1+$0xFFFFFFF0];
	_ =	sdelay $0x4  }
0x8e: {  	vm6 =	vge.f32 v4, v3  }
0x8f: {  	v5 =	vsel vm6, $0x1, v1  }
0x90: {  	(xrf0) =	vadd.scan.msk.s32 $0xffff, v5  }
0x91: {  	s11 =	spop (v2sf)  }
0x92: {  	s0 =	sadd.s32 s0, s11  }
0x93: {  	v5 =	vmov s0  }
0x94: {  	v5 =	vadd.s32 $0xFFFFFFFF, v5  }
0x95: {  	v5 =	vbroadcast v5, $0x0  }
0x96: {  	v55, _, _ =	vpop (xrf0)  }
0x97: {  	v56 =	vmpcnt.ones.xlane vm6;
	v5 =	vadd.s32 v55, v5  }
0x98: {  	vm7 =	vlt.s32 v5, $0x200  }
0x99: {  	(v2sf) =	vpush v56, $0x0;
	v5 =	vnsel vm7, $0x200, v5;
	_ =	sdelay $0x3  }
0x9a: {  	s11 =	sadd.s32 $0xFFFFFFC0, s31  }
0x9b: {  	[tilespmem:v5+s17+$0x0] =	vst.idx.msk vm6, v4;
	v4 =	vor.u32 s11, v2  }
0x9c: {  	[tilespmem:v5+s18+$0x0] =	vst.idx.msk vm6, v4  }
0x9d: {  	v4 =	vld [tilespmem:s1+$0x0];
	_ =	sdelay $0x4  }
0x9e: {  	vm8 =	vge.f32 v4, v3  }
0x9f: {  	v5 =	vsel vm8, $0x1, v1  }
0xa0: {  	(xrf0) =	vadd.scan.msk.s32 $0xffff, v5  }
0xa1: {  	s11 =	spop (v2sf)  }
0xa2: {  	s0 =	sadd.s32 s0, s11  }
0xa3: {  	v5 =	vmov s0  }
0xa4: {  	v5 =	vadd.s32 $0xFFFFFFFF, v5  }
0xa5: {  	v5 =	vbroadcast v5, $0x0  }
0xa6: {  	v57, _, _ =	vpop (xrf0)  }
0xa7: {  	v58 =	vmpcnt.ones.xlane vm8;
	v5 =	vadd.s32 v57, v5  }
0xa8: {  	vm9 =	vlt.s32 v5, $0x200  }
0xa9: {  	(v2sf) =	vpush v58, $0x0;
	v5 =	vnsel vm9, $0x200, v5;
	_ =	sdelay $0x3  }
0xaa: {  	s11 =	sadd.s32 $0xFFFFFFD0, s31  }
0xab: {  	[tilespmem:v5+s17+$0x0] =	vst.idx.msk vm8, v4;
	v4 =	vor.u32 s11, v2  }
0xac: {  	[tilespmem:v5+s18+$0x0] =	vst.idx.msk vm8, v4  }
0xad: {  	v4 =	vld [tilespmem:s1+$0x10];
	_ =	sdelay $0x4  }
0xae: {  	vm10 =	vge.f32 v4, v3  }
0xaf: {  	v5 =	vsel vm10, $0x1, v1  }
0xb0: {  	(xrf0) =	vadd.scan.msk.s32 $0xffff, v5  }
0xb1: {  	s11 =	spop (v2sf)  }
0xb2: {  	s0 =	sadd.s32 s0, s11  }
0xb3: {  	v5 =	vmov s0  }
0xb4: {  	v5 =	vadd.s32 $0xFFFFFFFF, v5  }
0xb5: {  	v5 =	vbroadcast v5, $0x0  }
0xb6: {  	v59, _, _ =	vpop (xrf0)  }
0xb7: {  	v60 =	vmpcnt.ones.xlane vm10;
	v5 =	vadd.s32 v59, v5  }
0xb8: {  	vm11 =	vlt.s32 v5, $0x200  }
0xb9: {  	(v2sf) =	vpush v60, $0x0;
	v5 =	vnsel vm11, $0x200, v5;
	_ =	sdelay $0x3  }
0xba: {  	s11 =	sadd.s32 $0xFFFFFFE0, s31  }
0xbb: {  	[tilespmem:v5+s17+$0x0] =	vst.idx.msk vm10, v4;
	v4 =	vor.u32 s11, v2  }
0xbc: {  	[tilespmem:v5+s18+$0x0] =	vst.idx.msk vm10, v4  }
0xbd: {  	v4 =	vld [tilespmem:s1+$0x20];
	_ =	sdelay $0x4  }
0xbe: {  	vm12 =	vge.f32 v4, v3  }
0xbf: {  	v5 =	vsel vm12, $0x1, v1  }
0xc0: {  	(xrf0) =	vadd.scan.msk.s32 $0xffff, v5  }
0xc1: {  	s11 =	spop (v2sf)  }
0xc2: {  	s0 =	sadd.s32 s0, s11  }
0xc3: {  	v5 =	vmov s0  }
0xc4: {  	v5 =	vadd.s32 $0xFFFFFFFF, v5  }
0xc5: {  	v5 =	vbroadcast v5, $0x0  }
0xc6: {  	v61, _, _ =	vpop (xrf0)  }
0xc7: {  	v5 =	vadd.s32 v61, v5  }
0xc8: {  	vm13 =	vlt.s32 v5, $0x200  }
0xc9: {  	v62 =	vmpcnt.ones.xlane vm12;
	v5 =	vnsel vm13, $0x200, v5;
	_ =	sdelay $0x1  }
0xca: {  	(v2sf) =	vpush v62, $0x0;
	_ =	sdelay $0x1  }
0xcb: {  	s11 =	sadd.s32 $0xFFFFFFF0, s31  }
0xcc: {  	[tilespmem:v5+s17+$0x0] =	vst.idx.msk vm12, v4;
	v4 =	vor.u32 s11, v2  }
0xcd: {  	[tilespmem:v5+s18+$0x0] =	vst.idx.msk vm12, v4  }
0xce: {  	v4 =	vld [tilespmem:s1+$0x30];
	_ =	sdelay $0x4  }
0xcf: {  	vm14 =	vge.f32 v4, v3  }
0xd0: {  	v5 =	vmpcnt.ones.xlane vm14;
	_ =	sdelay $0x1  }
0xd1: {  	v63 =	vsel vm14, $0x1, v1;
	(v2sf) =	vpush v5, $0x0  }
0xd2: {  	(xrf0) =	vadd.scan.msk.s32 $0xffff, v63  }
0xd3: {  	s11 =	spop (v2sf)  }
0xd4: {  	s0 =	sadd.s32 s0, s11  }
0xd5: {  	v5 =	vmov s0  }
0xd6: {  	v5 =	vadd.s32 $0xFFFFFFFF, v5  }
0xd7: {  	v5 =	vbroadcast v5, $0x0  }
0xd8: {  	v6, _, _ =	vpop (xrf0)  }
0xd9: {  	v5 =	vadd.s32 v6, v5  }
0xda: {  	vm15 =	vlt.s32 v5, $0x200  }
0xdb: {  	s30 =	sadd.s32 $0x8, s30;
	v5 =	vnsel vm15, $0x200, v5  }
0xdc: {  	p1 =	slt.u32 s30, $0x1F8  }
.Ltmp0:
0xdd: {  	_ = 	snop;
	(pc) =	sbr.rel @p1 .LBB2_3-.Ltmp0, $3  }
0xde: {  	_ =	sdelay $0x1  }
0xdf: {  	[tilespmem:v5+s17+$0x0] =	vst.idx.msk vm14, v4;
	v4 =	vor.u32 s31, v2;
	s11 =	spop (v2sf)  }
0xe0: {  	s1 =	sadd.s32 $0x80, s1;
	s31 =	sadd.s32 $0x80, s31;
	[tilespmem:v5+s18+$0x0] =	vst.idx.msk vm14, v4;
	s0 =	sadd.s32 s0, s11  }
0xe1: {  	p1 =	seq.s32 s25, $0x3F  }
0xe2: {  	s0 =	sadd.s32 @!p1 $0x2, s29  }
0xe3: {  	s1 =	sshll.u32 @!p1 s0, $0x4  }
0xe4: {  	s0 =	sshll.u32 @!p1 s0, $0xA;
	s1 =	sand.u32 @!p1 $0x60, s1  }
0xe5: {  	s11 =	simm.s32 @!p1 $0x400;
	s0 =	sand.u32 @!p1 $0xFFFE000, s0;
	s1 =	sadd.s32 @!p1 s4, s1  }
0xe6: {  	s30 =	simm.s32 @!p1 $0x0;
	s0 =	sadd.s32 @!p1 s0, s1;
	s1 =	simm.s32 @!p1 $0x80  }
0xe7: {  	[tilespmem:s30], [sflag:$0x1] =	stream.strided.gather @!p1 [hbm4b:s0+s1], $0x2000, s11, s1, $0x38;
	[tilespmem:$0x8A00] =	vst v63  }
0xe8: {  	s1 =	sshll.u32 s29, $0x6  }
0xe9: {  	s0 =	sand.u32 $0x3FE00, s1  }
0xea: {  	s0 =	sor.u32 s28, s0  }
0xeb: {  	s11 =	sadd.s32 s5, s0  }
0xec: {  	[hbm4b:s11+s13] =	stream.strided.scatter [tilespmem:s17], [sflag:$0x3], $0x200, s14, s13, $0x38;
	[tilespmem:$0x8A00] =	vst v63  }
0xed: {  	s0 =	sadd.s32 s6, s0  }
0xee: {  	[hbm4b:s0+s13] =	stream.strided.scatter [tilespmem:s18], [sflag:$0x3], $0x200, s14, s13, $0x38;
	[tilespmem:$0x8A00] =	vst v63  }
0xef: {  	_ =	swait.ge [sflag:s19], $0x2000  }
0xf0: {  	[sflag:s19] =	ssyncset.done $0x0  }
0xf1: {  	s0 =	simm.s32 @!p0 $0x4;
	[sflag:s19] =	ssyncadd.s32 $0xFFFFE000  }
0xf2: {  	_ =	swait.ge @!p0 [sflag:s0], $0x200  }
0xf3: {  	[sflag:s0] =	ssyncset.done @!p0 $0x0  }
0xf4: {  	[sflag:s0] =	ssyncadd.s32 @!p0 $0xFFFFFE00  }
0xf5: {  	s1 =	sor.u32 $0x1, s26;
	_ =	swait.ge @!p0 [sflag:s0], $0x200  }
0xf6: {  	s31 =	sshll.u32 s1, $0x7;
	[sflag:s0] =	ssyncset.done @!p0 $0x0  }
0xf7: {  	s26 =	sand.u32 $0x3FFFFF80, s31;
	[sflag:s0] =	ssyncadd.s32 @!p0 $0xFFFFFE00  }
0xf8: {  	v3 =	vld [tilespmem:s26+$0x4000];
	[tilespmem:$0x8500] =	vst v0  }
0xf9: {  	[tilespmem:$0x8780] =	vst v1  }
0xfa: {  	[tilespmem:$0x8510] =	vst v0  }
0xfb: {  	[tilespmem:$0x8790] =	vst v1  }
0xfc: {  	[tilespmem:$0x8520] =	vst v0  }
0xfd: {  	[tilespmem:$0x87A0] =	vst v1  }
0xfe: {  	[tilespmem:$0x8530] =	vst v0  }
0xff: {  	[tilespmem:$0x87B0] =	vst v1  }
0x100: {  	[tilespmem:$0x8540] =	vst v0  }
0x101: {  	[tilespmem:$0x87C0] =	vst v1  }
0x102: {  	[tilespmem:$0x8550] =	vst v0  }
0x103: {  	[tilespmem:$0x87D0] =	vst v1  }
0x104: {  	[tilespmem:$0x8560] =	vst v0  }
0x105: {  	[tilespmem:$0x87E0] =	vst v1  }
0x106: {  	[tilespmem:$0x8570] =	vst v0  }
0x107: {  	[tilespmem:$0x87F0] =	vst v1  }
0x108: {  	[tilespmem:$0x8580] =	vst v0  }
0x109: {  	[tilespmem:$0x8800] =	vst v1  }
0x10a: {  	[tilespmem:$0x8590] =	vst v0  }
0x10b: {  	[tilespmem:$0x8810] =	vst v1  }
0x10c: {  	[tilespmem:$0x85A0] =	vst v0  }
0x10d: {  	[tilespmem:$0x8820] =	vst v1  }
0x10e: {  	[tilespmem:$0x85B0] =	vst v0  }
0x10f: {  	[tilespmem:$0x8830] =	vst v1  }
0x110: {  	[tilespmem:$0x85C0] =	vst v0  }
0x111: {  	[tilespmem:$0x8840] =	vst v1  }
0x112: {  	[tilespmem:$0x85D0] =	vst v0  }
0x113: {  	[tilespmem:$0x8850] =	vst v1  }
0x114: {  	[tilespmem:$0x85E0] =	vst v0  }
0x115: {  	[tilespmem:$0x8860] =	vst v1  }
0x116: {  	[tilespmem:$0x85F0] =	vst v0  }
0x117: {  	[tilespmem:$0x8870] =	vst v1  }
0x118: {  	[tilespmem:$0x8600] =	vst v0  }
0x119: {  	[tilespmem:$0x8880] =	vst v1  }
0x11a: {  	[tilespmem:$0x8610] =	vst v0  }
0x11b: {  	[tilespmem:$0x8890] =	vst v1  }
0x11c: {  	[tilespmem:$0x8620] =	vst v0  }
0x11d: {  	[tilespmem:$0x88A0] =	vst v1  }
0x11e: {  	[tilespmem:$0x8630] =	vst v0  }
0x11f: {  	[tilespmem:$0x88B0] =	vst v1  }
0x120: {  	[tilespmem:$0x8640] =	vst v0  }
0x121: {  	[tilespmem:$0x88C0] =	vst v1  }
0x122: {  	[tilespmem:$0x8650] =	vst v0  }
0x123: {  	[tilespmem:$0x88D0] =	vst v1  }
0x124: {  	[tilespmem:$0x8660] =	vst v0  }
0x125: {  	[tilespmem:$0x88E0] =	vst v1  }
0x126: {  	[tilespmem:$0x8670] =	vst v0  }
0x127: {  	[tilespmem:$0x88F0] =	vst v1  }
0x128: {  	[tilespmem:$0x8680] =	vst v0  }
0x129: {  	[tilespmem:$0x8900] =	vst v1  }
0x12a: {  	[tilespmem:$0x8690] =	vst v0  }
0x12b: {  	[tilespmem:$0x8910] =	vst v1  }
0x12c: {  	[tilespmem:$0x86A0] =	vst v0  }
0x12d: {  	[tilespmem:$0x8920] =	vst v1  }
0x12e: {  	[tilespmem:$0x86B0] =	vst v0  }
0x12f: {  	[tilespmem:$0x8930] =	vst v1  }
0x130: {  	[tilespmem:$0x86C0] =	vst v0  }
0x131: {  	[tilespmem:$0x8940] =	vst v1  }
0x132: {  	[tilespmem:$0x86D0] =	vst v0  }
0x133: {  	[tilespmem:$0x8950] =	vst v1  }
0x134: {  	[tilespmem:$0x86E0] =	vst v0  }
0x135: {  	s29 =	simm.s32 $0xFFFFFFF8;
	[tilespmem:$0x8960] =	vst v1  }
0x136: {  	s30 =	simm.s32 $0x70;
	s28 =	sor.u32 s3, s1;
	s31 =	sshll.u32 s1, $0x4;
	[tilespmem:$0x86F0] =	vst v0  }
0x137: {  	s1 =	simm.s32 $0x2040;
	s0 =	simm.s32 $0x0;
	s26 =	sand.u32 $0x70, s31;
	[tilespmem:$0x8970] =	vst v1  }
.LBB2_5:
0x138: {  	v4 =	vld [tilespmem:s1+$0xFFFFFFC0];
	_ =	sdelay $0x4  }
0x139: {  	vm0 =	vge.f32 v4, v3  }
0x13a: {  	v5 =	vsel vm0, $0x1, v1  }
0x13b: {  	(xrf0) =	vadd.scan.msk.s32 $0xffff, v5;
	_ =	sdelay $0x2  }
0x13c: {  	v5 =	vmov s0  }
0x13d: {  	v5 =	vadd.s32 $0xFFFFFFFF, v5  }
0x13e: {  	v5 =	vbroadcast v5, $0x0  }
0x13f: {  	v6, _, _ =	vpop (xrf0)  }
0x140: {  	v50 =	vmpcnt.ones.xlane vm0;
	v5 =	vadd.s32 v6, v5  }
0x141: {  	vm1 =	vlt.s32 v5, $0x200  }
0x142: {  	(v2sf) =	vpush v50, $0x0;
	v5 =	vnsel vm1, $0x200, v5;
	_ =	sdelay $0x3  }
0x143: {  	s11 =	sadd.s32 $0xFFFFFF90, s30  }
0x144: {  	[tilespmem:v5+s20+$0x0] =	vst.idx.msk vm0, v4;
	v4 =	vor.u32 s11, v2  }
0x145: {  	[tilespmem:v5+s21+$0x0] =	vst.idx.msk vm0, v4  }
0x146: {  	v4 =	vld [tilespmem:s1+$0xFFFFFFD0];
	_ =	sdelay $0x4  }
0x147: {  	vm14 =	vge.f32 v4, v3  }
0x148: {  	v5 =	vsel vm14, $0x1, v1  }
0x149: {  	(xrf0) =	vadd.scan.msk.s32 $0xffff, v5  }
0x14a: {  	s31 =	spop (v2sf)  }
0x14b: {  	s0 =	sadd.s32 s0, s31  }
0x14c: {  	v5 =	vmov s0  }
0x14d: {  	v5 =	vadd.s32 $0xFFFFFFFF, v5  }
0x14e: {  	v5 =	vbroadcast v5, $0x0  }
0x14f: {  	v51, _, _ =	vpop (xrf0)  }
0x150: {  	v52 =	vmpcnt.ones.xlane vm14;
	v5 =	vadd.s32 v51, v5  }
0x151: {  	vm15 =	vlt.s32 v5, $0x200  }
0x152: {  	(v2sf) =	vpush v52, $0x0;
	v5 =	vnsel vm15, $0x200, v5;
	_ =	sdelay $0x3  }
0x153: {  	s31 =	sadd.s32 $0xFFFFFFA0, s30  }
0x154: {  	[tilespmem:v5+s20+$0x0] =	vst.idx.msk vm14, v4;
	v4 =	vor.u32 s31, v2  }
0x155: {  	[tilespmem:v5+s21+$0x0] =	vst.idx.msk vm14, v4  }
0x156: {  	v4 =	vld [tilespmem:s1+$0xFFFFFFE0];
	_ =	sdelay $0x4  }
0x157: {  	vm4 =	vge.f32 v4, v3  }
0x158: {  	v5 =	vsel vm4, $0x1, v1  }
0x159: {  	(xrf0) =	vadd.scan.msk.s32 $0xffff, v5  }
0x15a: {  	s31 =	spop (v2sf)  }
0x15b: {  	s0 =	sadd.s32 s0, s31  }
0x15c: {  	v5 =	vmov s0  }
0x15d: {  	v5 =	vadd.s32 $0xFFFFFFFF, v5  }
0x15e: {  	v5 =	vbroadcast v5, $0x0  }
0x15f: {  	v53, _, _ =	vpop (xrf0)  }
0x160: {  	v54 =	vmpcnt.ones.xlane vm4;
	v5 =	vadd.s32 v53, v5  }
0x161: {  	vm5 =	vlt.s32 v5, $0x200  }
0x162: {  	(v2sf) =	vpush v54, $0x0;
	v5 =	vnsel vm5, $0x200, v5;
	_ =	sdelay $0x3  }
0x163: {  	s31 =	sadd.s32 $0xFFFFFFB0, s30  }
0x164: {  	[tilespmem:v5+s20+$0x0] =	vst.idx.msk vm4, v4;
	v4 =	vor.u32 s31, v2  }
0x165: {  	[tilespmem:v5+s21+$0x0] =	vst.idx.msk vm4, v4  }
0x166: {  	v4 =	vld [tilespmem:s1+$0xFFFFFFF0];
	_ =	sdelay $0x4  }
0x167: {  	vm6 =	vge.f32 v4, v3  }
0x168: {  	v5 =	vsel vm6, $0x1, v1  }
0x169: {  	(xrf0) =	vadd.scan.msk.s32 $0xffff, v5  }
0x16a: {  	s31 =	spop (v2sf)  }
0x16b: {  	s0 =	sadd.s32 s0, s31  }
0x16c: {  	v5 =	vmov s0  }
0x16d: {  	v5 =	vadd.s32 $0xFFFFFFFF, v5  }
0x16e: {  	v5 =	vbroadcast v5, $0x0  }
0x16f: {  	v55, _, _ =	vpop (xrf0)  }
0x170: {  	v56 =	vmpcnt.ones.xlane vm6;
	v5 =	vadd.s32 v55, v5  }
0x171: {  	vm7 =	vlt.s32 v5, $0x200  }
0x172: {  	(v2sf) =	vpush v56, $0x0;
	v5 =	vnsel vm7, $0x200, v5;
	_ =	sdelay $0x3  }
0x173: {  	s31 =	sadd.s32 $0xFFFFFFC0, s30  }
0x174: {  	[tilespmem:v5+s20+$0x0] =	vst.idx.msk vm6, v4;
	v4 =	vor.u32 s31, v2  }
0x175: {  	[tilespmem:v5+s21+$0x0] =	vst.idx.msk vm6, v4  }
0x176: {  	v4 =	vld [tilespmem:s1+$0x0];
	_ =	sdelay $0x4  }
0x177: {  	vm8 =	vge.f32 v4, v3  }
0x178: {  	v5 =	vsel vm8, $0x1, v1  }
0x179: {  	(xrf0) =	vadd.scan.msk.s32 $0xffff, v5  }
0x17a: {  	s31 =	spop (v2sf)  }
0x17b: {  	s0 =	sadd.s32 s0, s31  }
0x17c: {  	v5 =	vmov s0  }
0x17d: {  	v5 =	vadd.s32 $0xFFFFFFFF, v5  }
0x17e: {  	v5 =	vbroadcast v5, $0x0  }
0x17f: {  	v57, _, _ =	vpop (xrf0)  }
0x180: {  	v58 =	vmpcnt.ones.xlane vm8;
	v5 =	vadd.s32 v57, v5  }
0x181: {  	vm9 =	vlt.s32 v5, $0x200  }
0x182: {  	(v2sf) =	vpush v58, $0x0;
	v5 =	vnsel vm9, $0x200, v5;
	_ =	sdelay $0x3  }
0x183: {  	s31 =	sadd.s32 $0xFFFFFFD0, s30  }
0x184: {  	[tilespmem:v5+s20+$0x0] =	vst.idx.msk vm8, v4;
	v4 =	vor.u32 s31, v2  }
0x185: {  	[tilespmem:v5+s21+$0x0] =	vst.idx.msk vm8, v4  }
0x186: {  	v4 =	vld [tilespmem:s1+$0x10];
	_ =	sdelay $0x4  }
0x187: {  	vm10 =	vge.f32 v4, v3  }
0x188: {  	v5 =	vsel vm10, $0x1, v1  }
0x189: {  	(xrf0) =	vadd.scan.msk.s32 $0xffff, v5  }
0x18a: {  	s31 =	spop (v2sf)  }
0x18b: {  	s0 =	sadd.s32 s0, s31  }
0x18c: {  	v5 =	vmov s0  }
0x18d: {  	v5 =	vadd.s32 $0xFFFFFFFF, v5  }
0x18e: {  	v5 =	vbroadcast v5, $0x0  }
0x18f: {  	v59, _, _ =	vpop (xrf0)  }
0x190: {  	v60 =	vmpcnt.ones.xlane vm10;
	v5 =	vadd.s32 v59, v5  }
0x191: {  	vm11 =	vlt.s32 v5, $0x200  }
0x192: {  	(v2sf) =	vpush v60, $0x0;
	v5 =	vnsel vm11, $0x200, v5;
	_ =	sdelay $0x3  }
0x193: {  	s31 =	sadd.s32 $0xFFFFFFE0, s30  }
0x194: {  	[tilespmem:v5+s20+$0x0] =	vst.idx.msk vm10, v4;
	v4 =	vor.u32 s31, v2  }
0x195: {  	[tilespmem:v5+s21+$0x0] =	vst.idx.msk vm10, v4  }
0x196: {  	v4 =	vld [tilespmem:s1+$0x20];
	_ =	sdelay $0x4  }
0x197: {  	vm12 =	vge.f32 v4, v3  }
0x198: {  	v5 =	vsel vm12, $0x1, v1  }
0x199: {  	(xrf0) =	vadd.scan.msk.s32 $0xffff, v5  }
0x19a: {  	s31 =	spop (v2sf)  }
0x19b: {  	s0 =	sadd.s32 s0, s31  }
0x19c: {  	v5 =	vmov s0  }
0x19d: {  	v5 =	vadd.s32 $0xFFFFFFFF, v5  }
0x19e: {  	v5 =	vbroadcast v5, $0x0  }
0x19f: {  	v61, _, _ =	vpop (xrf0)  }
0x1a0: {  	v5 =	vadd.s32 v61, v5  }
0x1a1: {  	vm13 =	vlt.s32 v5, $0x200  }
0x1a2: {  	v62 =	vmpcnt.ones.xlane vm12;
	v5 =	vnsel vm13, $0x200, v5;
	_ =	sdelay $0x1  }
0x1a3: {  	(v2sf) =	vpush v62, $0x0;
	_ =	sdelay $0x1  }
0x1a4: {  	s31 =	sadd.s32 $0xFFFFFFF0, s30  }
0x1a5: {  	[tilespmem:v5+s20+$0x0] =	vst.idx.msk vm12, v4;
	v4 =	vor.u32 s31, v2  }
0x1a6: {  	[tilespmem:v5+s21+$0x0] =	vst.idx.msk vm12, v4  }
0x1a7: {  	v4 =	vld [tilespmem:s1+$0x30];
	_ =	sdelay $0x4  }
0x1a8: {  	vm14 =	vge.f32 v4, v3  }
0x1a9: {  	v5 =	vmpcnt.ones.xlane vm14;
	_ =	sdelay $0x1  }
0x1aa: {  	v63 =	vsel vm14, $0x1, v1;
	(v2sf) =	vpush v5, $0x0  }
0x1ab: {  	(xrf0) =	vadd.scan.msk.s32 $0xffff, v63  }
0x1ac: {  	s31 =	spop (v2sf)  }
0x1ad: {  	s0 =	sadd.s32 s0, s31  }
0x1ae: {  	v5 =	vmov s0  }
0x1af: {  	v5 =	vadd.s32 $0xFFFFFFFF, v5  }
0x1b0: {  	v5 =	vbroadcast v5, $0x0  }
0x1b1: {  	v6, _, _ =	vpop (xrf0)  }
0x1b2: {  	v5 =	vadd.s32 v6, v5  }
0x1b3: {  	vm15 =	vlt.s32 v5, $0x200  }
0x1b4: {  	s29 =	sadd.s32 $0x8, s29;
	v5 =	vnsel vm15, $0x200, v5  }
0x1b5: {  	p0 =	slt.u32 s29, $0x1F8  }
.Ltmp1:
0x1b6: {  	_ = 	snop;
	(pc) =	sbr.rel @p0 .LBB2_5-.Ltmp1, $3  }
0x1b7: {  	_ =	sdelay $0x1  }
0x1b8: {  	[tilespmem:v5+s20+$0x0] =	vst.idx.msk vm14, v4;
	v4 =	vor.u32 s30, v2;
	s31 =	spop (v2sf)  }
0x1b9: {  	s1 =	sadd.s32 $0x80, s1;
	s30 =	sadd.s32 $0x80, s30;
	[tilespmem:v5+s21+$0x0] =	vst.idx.msk vm14, v4;
	s0 =	sadd.s32 s0, s31  }
0x1ba: {  	s0 =	sadd.s32 @!p1 $0x2, s28  }
0x1bb: {  	s11 =	simm.s32 @!p1 $0x400;
	s1 =	sshll.u32 @!p1 s0, $0x4  }
0x1bc: {  	s29 =	simm.s32 @!p1 $0x2000;
	s0 =	sshll.u32 @!p1 s0, $0xA;
	s1 =	sand.u32 @!p1 $0x70, s1  }
0x1bd: {  	s30 =	sshll.u32 s28, $0x6;
	s0 =	sand.u32 @!p1 $0xFFFE000, s0;
	s1 =	sadd.s32 @!p1 s4, s1  }
0x1be: {  	s25 =	sadd.s32 $0x1, s25;
	s0 =	sadd.s32 @!p1 s0, s1;
	s1 =	simm.s32 @!p1 $0x80  }
0x1bf: {  	[tilespmem:s29], [sflag:$0x2] =	stream.strided.gather @!p1 [hbm4b:s0+s1], $0x2000, s11, s1, $0x38;
	[tilespmem:$0x8A00] =	vst v63  }
0x1c0: {  	p0 =	sne.s32 s25, $0x40;
	s0 =	sand.u32 $0x3FE00, s30  }
.Ltmp2:
0x1c1: {  	s0 =	sor.u32 s26, s0;
	(pc) =	sbr.rel @p0 .LBB2_2-.Ltmp2, $4  }
0x1c2: {  	s31 =	sadd.s32 s5, s0  }
0x1c3: {  	[hbm4b:s31+s13] =	stream.strided.scatter [tilespmem:s20], [sflag:$0x4], $0x200, s14, s13, $0x38;
	[tilespmem:$0x8A00] =	vst v63  }
0x1c4: {  	s0 =	sadd.s32 s6, s0  }
0x1c5: {  	[hbm4b:s0+s13] =	stream.strided.scatter [tilespmem:s21], [sflag:$0x4], $0x200, s14, s13, $0x38;
	[tilespmem:$0x8A00] =	vst v63  }
0x1c6: {  	_ =	swait.ge [sflag:s22], $0x200  }
0x1c7: {  	[sflag:s22] =	ssyncset.done $0x0  }
0x1c8: {  	[sflag:s22] =	ssyncadd.s32 $0xFFFFFE00  }
0x1c9: {  	_ =	swait.ge [sflag:s22], $0x200  }
0x1ca: {  	[sflag:s22] =	ssyncset.done $0x0  }
0x1cb: {  	s24 =	sadd.s32 $0x1, s24;
	[sflag:s22] =	ssyncadd.s32 $0xFFFFFE00  }
0x1cc: {  	p0 =	sne.s32 s24, s10;
	_ =	swait.ge [sflag:s23], $0x200  }
.Ltmp3:
0x1cd: {  	[sflag:s23] =	ssyncset.done $0x0;
	(pc) =	sbr.rel @p0 .LBB2_1-.Ltmp3, $4  }
0x1ce: {  	[sflag:s23] =	ssyncadd.s32 $0xFFFFFE00  }
0x1cf: {  	_ =	swait.ge [sflag:s23], $0x200  }
0x1d0: {  	[sflag:s23] =	ssyncset.done $0x0  }
0x1d1: {  	[sflag:s23] =	ssyncadd.s32 $0xFFFFFE00  }
0x1d2: {  	_ =	sfence.sel $0x180000  }
0x1d3: {  	[bflag:$0x0] =	sbarrier.arrive $0xFFFF  }
0x1d4: {  	_ =	strace $0x90000047  }
0x1d5: {  	s0 =	stileid.u32;
	[bflag:$0x2] =	sbarrier.arrive $0xFFFF  }
0x1d6: {  	p0 =	sne.s32 s0, $0x0;
	s0 =	rddreg [dreg:$0x1]  }
0x1d7: {  	s0 =	sadd.s32 @!p0 $0x100000, s0  }
0x1d8: {  	[sflag:s0] =	ssyncadd.tile.s32 @!p0 $0x1;
	_ =	shalt  }
.Lfunc_end2:
_tile_overlayer_lowered:
.L_overlay_start_2:
0x1d9: {  	(tag) =	ssettag $0x2  }
0x1da: {  	s0 =	rddreg [dreg:$0x0];
	s2 =	stileid.u32  }
0x1db: {  	s1 =	rddreg [dreg:$0x1];
	p0 =	sne.s32 s2, $0x0  }
0x1dc: {  	s3 =	rddreg [dreg:$0x2];
	[bflag:$0x3] =	sbarrier.arrive $0xFFFF;
	s2 =	simm.s32 @!p0 $0x1C05  }
0x1dd: {  	[timem:s3], [sflag:s2] =	dma.local @!p0 [hbm:s0], s1  }
0x1de: {  	s0 =	simm.s32 @!p0 $0x5  }
0x1df: {  	_ =	swait.ge @!p0 [sflag:s0], s1  }
0x1e0: {  	s1 =	ssub.s32 @!p0 $0x0, s1;
	[sflag:s0] =	ssyncset.done @!p0 $0x0  }
0x1e1: {  	[sflag:s0] =	ssyncadd.s32 @!p0 s1  }
0x1e2: {  	[bflag:$0x3] =	sbarrier.arrive $0xFFFF  }
0x1e3: {  	_ =	shalt  }

</sc_bundles>
